<compile_context>
chip_gen: v7x
topology: tpu7x:2x2x1
jax: 0.10.2.dev20260603
libtpu: 0.0.44.dev20260713+nightly
codegen_flags: <defaults>
</compile_context>

<pallas_src>
import functools

import jax
import jax.numpy as jnp
from jax import lax
from jax.experimental import pallas as pl
from jax.experimental.pallas import tpu as pltpu
from jax.experimental.pallas import tpu_sc as plsc

N_NODES = 10000
E = 320000
D_IN = 128
D_LAT = 64
N_NEU = 50
FC_IN = N_NEU * N_NEU
FC_HID = 2 * FC_IN
G = N_NODES // N_NEU

NC, NS = 2, 16
NW = NC * NS
CH = 128
NCH = 79
EPW = NCH * CH
EPAD = NW * EPW
NPAD = 10112
RPT = NPAD // NS
NB = 4
NFULL = (NCH // NB) * NB


DW = 16


def _sc_deg_body(dst_hbm, ones_hbm, zeros_hbm, deg_hbm,
                 idx_v, ones_v, zbuf, deg_sh, sem):
    c = lax.axis_index("c")
    s = lax.axis_index("s")
    wid = c * NS + s
    pltpu.sync_copy(ones_hbm, ones_v)
    pltpu.sync_copy(zeros_hbm, zbuf)
    pltpu.sync_copy(dst_hbm.at[pl.ds(wid * NCH, NCH)], idx_v)

    @pl.loop(0, RPT, step=8)
    def _(r):
        pltpu.async_copy(zbuf, deg_sh.at[pl.ds(s * RPT + r, 8)], sem)

    @pl.loop(0, RPT, step=8)
    def _(r):
        pltpu.make_async_copy(zbuf, deg_sh.at[pl.ds(s * RPT + r, 8)],
                              sem).wait()

    plsc.subcore_barrier()

    @pl.loop(0, NCH)
    def _(j):
        pltpu.async_copy(ones_v, deg_sh.at[idx_v.at[j]], sem, add=True)

    @pl.loop(0, NCH)
    def _(j):
        pltpu.make_async_copy(ones_v, deg_sh.at[idx_v.at[j]], sem).wait()

    plsc.subcore_barrier()

    @pl.loop(0, RPT - CH, step=CH)
    def _(r):
        pltpu.sync_copy(deg_sh.at[pl.ds(s * RPT + r, CH)], ones_v)
        pltpu.sync_copy(ones_v, deg_hbm.at[pl.ds(c * NPAD + s * RPT + r, CH)])

    tail = RPT - (RPT // CH) * CH
    base = (RPT // CH) * CH
    tv = ones_v.at[pl.ds(0, tail), pl.ds(0, DW)]
    pltpu.sync_copy(deg_sh.at[pl.ds(s * RPT + base, tail)], tv)
    pltpu.sync_copy(tv, deg_hbm.at[pl.ds(c * NPAD + s * RPT + base, tail)])


def _sc_scatter_body(src_hbm, dst_hbm, hs_hbm, zeros_hbm, acc_hbm,
                     sidx_v, didx_v, r0, r1, r2, r3, zbuf, acc_sh,
                     g0, g1, g2, g3, s0, s1, s2, s3):
    c = lax.axis_index("c")
    s = lax.axis_index("s")
    wid = c * NS + s
    rows = (r0, r1, r2, r3)
    gsem = (g0, g1, g2, g3)
    ssem = (s0, s1, s2, s3)
    pltpu.sync_copy(zeros_hbm, zbuf)
    pltpu.sync_copy(src_hbm.at[pl.ds(wid * NCH, NCH)], sidx_v)
    pltpu.sync_copy(dst_hbm.at[pl.ds(wid * NCH, NCH)], didx_v)

    @pl.loop(0, RPT, step=8)
    def _(r):
        pltpu.async_copy(zbuf, acc_sh.at[pl.ds(s * RPT + r, 8)], g0)

    @pl.loop(0, RPT, step=8)
    def _(r):
        pltpu.make_async_copy(zbuf, acc_sh.at[pl.ds(s * RPT + r, 8)],
                              g0).wait()

    plsc.subcore_barrier()

    @pl.loop(0, NFULL, step=NB)
    def _(j0):
        for b in range(NB):
            jb = j0 + b

            @pl.when(j0 > 0)
            def _():
                pltpu.make_async_copy(rows[b], acc_sh.at[didx_v.at[jb]],
                                      ssem[b]).wait()

            pltpu.async_copy(hs_hbm.at[sidx_v.at[jb]], rows[b], gsem[b])
        for b in range(NB):
            jb = j0 + b
            pltpu.make_async_copy(hs_hbm.at[sidx_v.at[jb]], rows[b],
                                  gsem[b]).wait()
            pltpu.async_copy(rows[b], acc_sh.at[didx_v.at[jb]], ssem[b],
                             add=True)

    for b in range(NB):
        pltpu.make_async_copy(rows[b], acc_sh.at[didx_v.at[NFULL - NB + b]],
                              ssem[b]).wait()
    for j in range(NFULL, NCH):
        pltpu.sync_copy(hs_hbm.at[sidx_v.at[j]], r0)
        pltpu.sync_copy(r0, acc_sh.at[didx_v.at[j]], add=True)

    plsc.subcore_barrier()

    @pl.loop(0, RPT - CH, step=CH)
    def _(r):
        pltpu.sync_copy(acc_sh.at[pl.ds(s * RPT + r, CH)], r0)
        pltpu.sync_copy(r0, acc_hbm.at[pl.ds(c * NPAD + s * RPT + r, CH)])

    tail = RPT - (RPT // CH) * CH
    base = (RPT // CH) * CH
    tview = r1.at[pl.ds(0, tail), pl.ds(0, D_LAT)]
    pltpu.sync_copy(acc_sh.at[pl.ds(s * RPT + base, tail)], tview)
    pltpu.sync_copy(tview, acc_hbm.at[pl.ds(c * NPAD + s * RPT + base, tail)])


@functools.cache
def _sc_kernels():
    vmesh = plsc.VectorSubcoreMesh(core_axis_name="c", subcore_axis_name="s",
                                   num_cores=NC, num_subcores=NS)
    sc_deg = pl.kernel(
        _sc_deg_body,
        out_type=jax.ShapeDtypeStruct((NC * NPAD, DW), jnp.float32),
        mesh=vmesh,
        compiler_params=pltpu.CompilerParams(use_tc_tiling_on_sc=False),
        scratch_types=[
            pltpu.VMEM((NCH, CH), jnp.int32),
            pltpu.VMEM((CH, DW), jnp.float32),
            pltpu.VMEM((8, DW), jnp.float32),
            pltpu.VMEM_SHARED((NPAD, DW), jnp.float32),
            pltpu.SemaphoreType.DMA,
        ],
    )
    sc_scatter = pl.kernel(
        _sc_scatter_body,
        out_type=jax.ShapeDtypeStruct((NC * NPAD, D_LAT), jnp.float32),
        mesh=vmesh,
        compiler_params=pltpu.CompilerParams(use_tc_tiling_on_sc=False),
        scratch_types=(
            [pltpu.VMEM((NCH, CH), jnp.int32)] * 2
            + [pltpu.VMEM((CH, D_LAT), jnp.float32)] * 4
            + [pltpu.VMEM((8, D_LAT), jnp.float32)]
            + [pltpu.VMEM_SHARED((NPAD, D_LAT), jnp.float32)]
            + [pltpu.SemaphoreType.DMA] * 8
        ),
    )
    return sc_deg, sc_scatter


def _k1_body(x_ref, w_ref, o_ref):
    o_ref[...] = jnp.dot(x_ref[...], w_ref[...],
                         preferred_element_type=jnp.float32)


def _k1(x, Wc):
    return pl.pallas_call(
        _k1_body,
        out_shape=jax.ShapeDtypeStruct((N_NODES, D_LAT), jnp.float32),
        grid=(5,),
        in_specs=[
            pl.BlockSpec((N_NODES // 5, D_IN), lambda i: (i, 0)),
            pl.BlockSpec((D_IN, D_LAT), lambda i: (0, 0)),
        ],
        out_specs=pl.BlockSpec((N_NODES // 5, D_LAT), lambda i: (i, 0)),
    )(x, Wc)


def _k1b_body(deg_ref, h_ref, hs_ref, dinv_ref):
    deg = deg_ref[0, :, 0:1] + deg_ref[1, :, 0:1]
    dinv = jnp.where(deg > 0, lax.rsqrt(jnp.maximum(deg, 1e-12)), 0.0)
    dinv_ref[...] = dinv
    hs_ref[0:N_NODES, :] = dinv[0:N_NODES] * h_ref[...]
    hs_ref[N_NODES:NPAD, :] = jnp.zeros((NPAD - N_NODES, D_LAT), jnp.float32)


def _k1b(deg2, h):
    return pl.pallas_call(
        _k1b_body,
        out_shape=(
            jax.ShapeDtypeStruct((NPAD, D_LAT), jnp.float32),
            jax.ShapeDtypeStruct((NPAD, 1), jnp.float32),
        ),
    )(deg2, h)


GB = 8
RB = GB * N_NEU


def _k2a_body(acc_ref, dinv_ref, bc_ref, o_ref):
    accsum = acc_ref[0] + acc_ref[1]
    z = jnp.maximum(dinv_ref[...] * accsum + bc_ref[...], 0.0)
    big = lax.dot_general(z, z, (((1,), (1,)), ((), ())),
                          preferred_element_type=jnp.float32)
    for g in range(GB):
        o_ref[g] = big[g * N_NEU:(g + 1) * N_NEU, g * N_NEU:(g + 1) * N_NEU]


def _k2a(acc2, dinv, bc_row):
    return pl.pallas_call(
        _k2a_body,
        out_shape=jax.ShapeDtypeStruct((G, N_NEU, N_NEU), jnp.float32),
        grid=(G // GB,),
        in_specs=[
            pl.BlockSpec((NC, RB, D_LAT), lambda i: (0, i, 0)),
            pl.BlockSpec((RB, 1), lambda i: (i, 0)),
            pl.BlockSpec((1, D_LAT), lambda i: (0, 0)),
        ],
        out_specs=pl.BlockSpec((GB, N_NEU, N_NEU), lambda i: (i, 0, 0)),
    )(acc2, dinv, bc_row)


def _make_fc_body(act):
    def body(x_ref, w_hbm, b_ref, o_ref, wbuf, sem):
        cp = pltpu.make_async_copy(w_hbm, wbuf, sem)
        cp.start()
        cp.wait()
        a = jnp.dot(x_ref[...], wbuf[...], preferred_element_type=jnp.float32)
        o_ref[...] = act(a + b_ref[...])

    return body


def _fc(act, x, wb, b_row):
    m, k = x.shape
    n = wb.shape[1]
    return pl.pallas_call(
        _make_fc_body(act),
        out_shape=jax.ShapeDtypeStruct((m, n), jnp.float32),
        in_specs=[
            pl.BlockSpec((m, k), lambda: (0, 0)),
            pl.BlockSpec(memory_space=pl.ANY),
            pl.BlockSpec((1, n), lambda: (0, 0)),
        ],
        out_specs=pl.BlockSpec((m, n), lambda: (0, 0)),
        scratch_shapes=[
            pltpu.VMEM((k, n), jnp.bfloat16),
            pltpu.SemaphoreType.DMA,
        ],
    )(x, wb, b_row)


_relu = lambda v: jnp.maximum(v, 0.0)


def kernel(x, edge_index, Wc, bc, W1, b1, W2, b2):
    ei = edge_index.astype(jnp.int32)
    pad = N_NODES + (jnp.arange(EPAD - E, dtype=jnp.int32) % 16)
    src2 = jnp.concatenate([ei[0], pad]).reshape(NW * NCH, CH)
    dst2 = jnp.concatenate([ei[1], pad]).reshape(NW * NCH, CH)
    ones_c = jnp.ones((CH, DW), jnp.float32)
    zer1 = jnp.zeros((8, DW), jnp.float32)
    zer64 = jnp.zeros((8, D_LAT), jnp.float32)

    sc_deg, sc_scatter = _sc_kernels()
    deg2 = sc_deg(dst2, ones_c, zer1)
    h = _k1(x, Wc)
    hs, dinv = _k1b(deg2.reshape(NC, NPAD, DW), h)
    acc2 = sc_scatter(src2, dst2, hs, zer64)
    gf = _k2a(acc2.reshape(NC, NPAD, D_LAT), dinv,
              bc.reshape(1, D_LAT))
    gfb = gf.reshape(G, FC_IN).astype(jnp.bfloat16)
    a = _fc(_relu, gfb, W1.astype(jnp.bfloat16),
            b1.reshape(1, FC_HID))
    y = _fc(jax.nn.sigmoid, a.astype(jnp.bfloat16),
            W2.astype(jnp.bfloat16), b2.reshape(1, FC_IN))
    return y.reshape(-1)

# --- scband reference (transcript-rebuilt; emitter-appended) ---
"""Pipeline reference for scband-classifier-gcn-23794118820245 (READ-ONLY COPY).

The authoritative reference and input builder live on the scoring server;
editing this copy changes nothing except your own understanding.
"""

import jax, jax.numpy as jnp
import numpy as np

N_NODES = 10000
N_EDGES = 320000
D_IN = 128          # timestep_bin_length
D_LAT = D_IN // 2   # latent_features = 64
N_NEURONS = 50
FC_IN = N_NEURONS ** 2        # 2500
FC_HID = 2 * N_NEURONS ** 2   # 5000


def setup_inputs(seed: int = 0) -> dict:
    key = jax.random.key(seed)
    ks = jax.random.split(key, 8)
    x = jax.random.normal(ks[0], (N_NODES, D_IN), dtype=jnp.float32)
    edge_index = jax.random.randint(ks[1], (2, N_EDGES), 0, N_NODES, dtype=jnp.int64)
    # GCNConv weight (lin is bias-free in PyG; separate additive bias)
    Wc = jax.random.normal(ks[2], (D_IN, D_LAT), dtype=jnp.float32) * (1.0 / np.sqrt(D_IN))
    bc = jnp.zeros((D_LAT,), dtype=jnp.float32)
    W1 = jax.random.normal(ks[3], (FC_IN, FC_HID), dtype=jnp.float32) * (1.0 / np.sqrt(FC_IN))
    b1 = jax.random.normal(ks[4], (FC_HID,), dtype=jnp.float32) * 0.01
    W2 = jax.random.normal(ks[5], (FC_HID, FC_IN), dtype=jnp.float32) * (1.0 / np.sqrt(FC_HID))
    b2 = jax.random.normal(ks[6], (FC_IN,), dtype=jnp.float32) * 0.01
    return {"x": x, "edge_index": edge_index, "Wc": Wc, "bc": bc,
            "W1": W1, "b1": b1, "W2": W2, "b2": b2}


def _gcn_conv(x, edge_index, Wc, bc):
    # GCNConv with add_self_loops=False:
    #   deg computed on dst; norm = deg^-1/2[src] * deg^-1/2[dst]
    src = edge_index[0]
    dst = edge_index[1]
    ones = jnp.ones((edge_index.shape[1],), dtype=x.dtype)
    deg = jax.ops.segment_sum(ones, dst, num_segments=N_NODES)
    deg_inv_sqrt = jnp.where(deg > 0, jax.lax.rsqrt(jnp.maximum(deg, 1e-12)), 0.0)
    norm = deg_inv_sqrt[src] * deg_inv_sqrt[dst]
    h = x @ Wc                       # dense transform first (PyG order)
    msg = norm[:, None] * jnp.take(h, src, axis=0)   # gather
    out = jax.ops.segment_sum(msg, dst, num_segments=N_NODES)  # scatter-add
    return out + bc


def reference(x, edge_index, Wc, bc, W1, b1, W2, b2):
    z = jax.nn.relu(_gcn_conv(x, edge_index, Wc, bc))          # [N, D_LAT]
    z = z.reshape(-1, N_NEURONS, D_LAT)                         # [G, n, lat]
    z = z @ jnp.swapaxes(z, 1, 2)                               # [G, n, n]
    z = z.reshape(-1, N_NEURONS ** 2)                           # [G, n*n]
    z = jax.nn.relu(z @ W1 + b1)
    y_hat = jax.nn.sigmoid(z @ W2 + b2)
    return y_hat.reshape(-1)

if __name__ == "__main__":
    import jax
    _d = setup_inputs()
    print(jax.jit(kernel)(*tuple(_d.values())))

</pallas_src>

<mosaic_0001>
#map = affine_map<(d0, d1) -> (0, 0)>
module attributes {stable_mosaic.version = 14 : i64} {
  func.func @_sc_scatter_body(%arg0: i32, %arg1: i32, %arg2: memref<2528x128xi32, #tpu.memory_space<hbm>>, %arg3: memref<2528x128xi32, #tpu.memory_space<hbm>>, %arg4: memref<10112x64xf32, #tpu.memory_space<hbm>>, %arg5: memref<8x64xf32, #tpu.memory_space<hbm>>, %arg6: memref<20224x64xf32, #tpu.memory_space<hbm>>, %arg7: memref<79x128xi32, #tpu.memory_space<vmem>>, %arg8: memref<79x128xi32, #tpu.memory_space<vmem>>, %arg9: memref<128x64xf32, #tpu.memory_space<vmem>>, %arg10: memref<128x64xf32, #tpu.memory_space<vmem>>, %arg11: memref<128x64xf32, #tpu.memory_space<vmem>>, %arg12: memref<128x64xf32, #tpu.memory_space<vmem>>, %arg13: memref<8x64xf32, #tpu.memory_space<vmem>>, %arg14: memref<10112x64xf32, #tpu.memory_space<vmem_shared>>, %arg15: memref<!tpu.dma_semaphore, #tpu.memory_space<semaphore_mem>>, %arg16: memref<!tpu.dma_semaphore, #tpu.memory_space<semaphore_mem>>, %arg17: memref<!tpu.dma_semaphore, #tpu.memory_space<semaphore_mem>>, %arg18: memref<!tpu.dma_semaphore, #tpu.memory_space<semaphore_mem>>, %arg19: memref<!tpu.dma_semaphore, #tpu.memory_space<semaphore_mem>>, %arg20: memref<!tpu.dma_semaphore, #tpu.memory_space<semaphore_mem>>, %arg21: memref<!tpu.dma_semaphore, #tpu.memory_space<semaphore_mem>>, %arg22: memref<!tpu.dma_semaphore, #tpu.memory_space<semaphore_mem>>) attributes {dimension_semantics = [#tpu.dimension_semantics<core_parallel>, #tpu.dimension_semantics<subcore_parallel>], iteration_bounds = array<i64: 2, 16>, scalar_prefetch = 0 : i64, scratch_operands = 16 : i64, tpu.core_type = #tpu.core_type<sc_vector_subcore>, window_params = [{transform_indices = #map}, {transform_indices = #map}, {transform_indices = #map}, {transform_indices = #map}, {transform_indices = #map}]} {
    %mul3A = arith.constant 16 : i32
    %mul3A_0 = arith.muli %arg0, %mul3A : i32
    %add3A = arith.addi %mul3A_0, %arg1 : i32
    "tpu.region"() ({
      %run_scoped3A_68 = tpu.sem_alloc : memref<!tpu.dma_semaphore, #tpu.memory_space<semaphore_mem>>
      tpu.enqueue_dma source(%arg5 : memref<8x64xf32, #tpu.memory_space<hbm>>) target(%arg13 : memref<8x64xf32, #tpu.memory_space<vmem>>) target_semaphore(%run_scoped3A_68 : memref<!tpu.dma_semaphore, #tpu.memory_space<semaphore_mem>>)
      tpu.wait_dma2 semaphore(%run_scoped3A_68 : memref<!tpu.dma_semaphore, #tpu.memory_space<semaphore_mem>>) src(%arg5 : memref<8x64xf32, #tpu.memory_space<hbm>>) dst(%arg13 : memref<8x64xf32, #tpu.memory_space<vmem>>)
      tpu.yield
    }) : () -> ()
    %mul3A_1 = arith.constant 79 : i32
    %mul3A_2 = arith.muli %add3A, %mul3A_1 : i32
    "tpu.region"() ({
      %run_scoped3A_68 = tpu.sem_alloc : memref<!tpu.dma_semaphore, #tpu.memory_space<semaphore_mem>>
      %dma_start3A = arith.constant 0 : i32
      %dma_start3A_69 = tpu.memref_slice %arg2[%mul3A_2, %dma_start3A] : memref<2528x128xi32, #tpu.memory_space<hbm>> -> memref<79x128xi32, #tpu.memory_space<hbm>>
      %dma_start3A_70 = arith.constant 0 : i32
      %dma_start3A_71 = tpu.memref_slice %arg2[%mul3A_2, %dma_start3A_70] : memref<2528x128xi32, #tpu.memory_space<hbm>> -> memref<79x128xi32, #tpu.memory_space<hbm>>
      tpu.enqueue_dma source(%dma_start3A_71 : memref<79x128xi32, #tpu.memory_space<hbm>>) target(%arg7 : memref<79x128xi32, #tpu.memory_space<vmem>>) target_semaphore(%run_scoped3A_68 : memref<!tpu.dma_semaphore, #tpu.memory_space<semaphore_mem>>)
      %dma_wait3A_72 = arith.constant 0 : i32
      %dma_wait3A_73 = tpu.memref_slice %arg2[%mul3A_2, %dma_wait3A_72] : memref<2528x128xi32, #tpu.memory_space<hbm>> -> memref<79x128xi32, #tpu.memory_space<hbm>>
      %dma_wait3A_74 = arith.constant 0 : i32
      %dma_wait3A_75 = tpu.memref_slice %arg2[%mul3A_2, %dma_wait3A_74] : memref<2528x128xi32, #tpu.memory_space<hbm>> -> memref<79x128xi32, #tpu.memory_space<hbm>>
      tpu.wait_dma2 semaphore(%run_scoped3A_68 : memref<!tpu.dma_semaphore, #tpu.memory_space<semaphore_mem>>) src(%dma_wait3A_75 : memref<79x128xi32, #tpu.memory_space<hbm>>) dst(%arg7 : memref<79x128xi32, #tpu.memory_space<vmem>>)
      tpu.yield
    }) : () -> ()
    %mul3A_3 = arith.constant 79 : i32
    %mul3A_4 = arith.muli %add3A, %mul3A_3 : i32
    "tpu.region"() ({
      %run_scoped3A_68 = tpu.sem_alloc : memref<!tpu.dma_semaphore, #tpu.memory_space<semaphore_mem>>
      %dma_start3A = arith.constant 0 : i32
      %dma_start3A_69 = tpu.memref_slice %arg3[%mul3A_4, %dma_start3A] : memref<2528x128xi32, #tpu.memory_space<hbm>> -> memref<79x128xi32, #tpu.memory_space<hbm>>
      %dma_start3A_70 = arith.constant 0 : i32
      %dma_start3A_71 = tpu.memref_slice %arg3[%mul3A_4, %dma_start3A_70] : memref<2528x128xi32, #tpu.memory_space<hbm>> -> memref<79x128xi32, #tpu.memory_space<hbm>>
      tpu.enqueue_dma source(%dma_start3A_71 : memref<79x128xi32, #tpu.memory_space<hbm>>) target(%arg8 : memref<79x128xi32, #tpu.memory_space<vmem>>) target_semaphore(%run_scoped3A_68 : memref<!tpu.dma_semaphore, #tpu.memory_space<semaphore_mem>>)
      %dma_wait3A_72 = arith.constant 0 : i32
      %dma_wait3A_73 = tpu.memref_slice %arg3[%mul3A_4, %dma_wait3A_72] : memref<2528x128xi32, #tpu.memory_space<hbm>> -> memref<79x128xi32, #tpu.memory_space<hbm>>
      %dma_wait3A_74 = arith.constant 0 : i32
      %dma_wait3A_75 = tpu.memref_slice %arg3[%mul3A_4, %dma_wait3A_74] : memref<2528x128xi32, #tpu.memory_space<hbm>> -> memref<79x128xi32, #tpu.memory_space<hbm>>
      tpu.wait_dma2 semaphore(%run_scoped3A_68 : memref<!tpu.dma_semaphore, #tpu.memory_space<semaphore_mem>>) src(%dma_wait3A_75 : memref<79x128xi32, #tpu.memory_space<hbm>>) dst(%arg8 : memref<79x128xi32, #tpu.memory_space<vmem>>)
      tpu.yield
    }) : () -> ()
    %scan3A = arith.constant 0 : i32
    %scan3A_5 = arith.constant 79 : i32
    %scan3A_6 = arith.addi %scan3A, %scan3A_5 : i32
    %scan3A_7 = arith.constant 1 : i32
    scf.for %scan3A_68 = %scan3A to %scan3A_6 step %scan3A_7  : i32 {
      %mul3A_69 = arith.constant 8 : i32
      %mul3A_70 = arith.muli %scan3A_68, %mul3A_69 : i32
      %add3A_71 = arith.constant 0 : i32
      %add3A_72 = arith.addi %add3A_71, %mul3A_70 : i32
      %mul3A_73 = arith.constant 632 : i32
      %mul3A_74 = arith.muli %arg1, %mul3A_73 : i32
      %add3A_75 = arith.addi %mul3A_74, %add3A_72 : i32
      %dma_start3A = arith.constant 0 : i32
      %dma_start3A_76 = tpu.memref_slice %arg14[%add3A_75, %dma_start3A] : memref<10112x64xf32, #tpu.memory_space<vmem_shared>> -> memref<8x64xf32, #tpu.memory_space<vmem_shared>>
      %dma_start3A_77 = arith.constant 0 : i32
      %dma_start3A_78 = tpu.memref_slice %arg14[%add3A_75, %dma_start3A_77] : memref<10112x64xf32, #tpu.memory_space<vmem_shared>> -> memref<8x64xf32, #tpu.memory_space<vmem_shared>>
      tpu.enqueue_dma source(%arg13 : memref<8x64xf32, #tpu.memory_space<vmem>>) target(%dma_start3A_78 : memref<8x64xf32, #tpu.memory_space<vmem_shared>>) target_semaphore(%arg15 : memref<!tpu.dma_semaphore, #tpu.memory_space<semaphore_mem>>)
    }
    %scan3A_8 = arith.constant 79 : i32
    %scan3A_9 = arith.constant 0 : i32
    %scan3A_10 = arith.constant 79 : i32
    %scan3A_11 = arith.addi %scan3A_9, %scan3A_10 : i32
    %scan3A_12 = arith.constant 1 : i32
    scf.for %scan3A_68 = %scan3A_9 to %scan3A_11 step %scan3A_12  : i32 {
      %mul3A_69 = arith.constant 8 : i32
      %mul3A_70 = arith.muli %scan3A_68, %mul3A_69 : i32
      %add3A_71 = arith.constant 0 : i32
      %add3A_72 = arith.addi %add3A_71, %mul3A_70 : i32
      %mul3A_73 = arith.constant 632 : i32
      %mul3A_74 = arith.muli %arg1, %mul3A_73 : i32
      %add3A_75 = arith.addi %mul3A_74, %add3A_72 : i32
      %dma_wait3A_76 = arith.constant 0 : i32
      %dma_wait3A_77 = tpu.memref_slice %arg14[%add3A_75, %dma_wait3A_76] : memref<10112x64xf32, #tpu.memory_space<vmem_shared>> -> memref<8x64xf32, #tpu.memory_space<vmem_shared>>
      %dma_wait3A_78 = arith.constant 0 : i32
      %dma_wait3A_79 = tpu.memref_slice %arg14[%add3A_75, %dma_wait3A_78] : memref<10112x64xf32, #tpu.memory_space<vmem_shared>> -> memref<8x64xf32, #tpu.memory_space<vmem_shared>>
      tpu.wait_dma2 semaphore(%arg15 : memref<!tpu.dma_semaphore, #tpu.memory_space<semaphore_mem>>) src(%arg13 : memref<8x64xf32, #tpu.memory_space<vmem>>) dst(%dma_wait3A_79 : memref<8x64xf32, #tpu.memory_space<vmem_shared>>)
    }
    %scan3A_13 = arith.constant 79 : i32
    %barrier3A = arith.constant 0 : index
    tpu.barrier barrier_id(%barrier3A)
    %scan3A_14 = arith.constant 0 : i32
    %scan3A_15 = arith.constant 19 : i32
    %scan3A_16 = arith.addi %scan3A_14, %scan3A_15 : i32
    %scan3A_17 = arith.constant 1 : i32
    scf.for %scan3A_68 = %scan3A_14 to %scan3A_16 step %scan3A_17  : i32 {
      %mul3A_69 = arith.constant 4 : i32
      %mul3A_70 = arith.muli %scan3A_68, %mul3A_69 : i32
      %add3A_71 = arith.constant 0 : i32
      %add3A_72 = arith.addi %add3A_71, %mul3A_70 : i32
      %add3A_73 = arith.constant 0 : i32
      %add3A_74 = arith.addi %add3A_72, %add3A_73 : i32
      %gt3A = arith.constant 0 : i32
      %gt3A_75 = arith.cmpi sgt, %add3A_72, %gt3A : i32
      %convert_element_type3A = arith.extui %gt3A_75 : i1 to i32
      %cond3A = arith.constant 0 : i32
      %cond3A_76 = arith.cmpi ne, %convert_element_type3A, %cond3A : i32
      scf.if %cond3A_76 {
        %dma_wait3A_177 = arith.constant 0 : i32
        %dma_wait3A_178 = tpu.memref_slice %arg8[%add3A_74, %dma_wait3A_177] : memref<79x128xi32, #tpu.memory_space<vmem>> -> memref<1x128xi32, #tpu.memory_space<vmem>>
        %dma_wait3A_179 = tpu.memref_squeeze %dma_wait3A_178 : memref<1x128xi32, #tpu.memory_space<vmem>> -> memref<128xi32, #tpu.memory_space<vmem>>
        %dma_wait3A_180 = arith.constant 0 : i32
        %dma_wait3A_181 = arith.constant 0 : i32
        %dma_wait3A_182 = tpu.memref_slice %arg14[%dma_wait3A_180, %dma_wait3A_181] : memref<10112x64xf32, #tpu.memory_space<vmem_shared>> -> memref<10112x64xf32, #tpu.memory_space<vmem_shared>>
        tpu.wait_indirect_dma semaphore(%arg19 : memref<!tpu.dma_semaphore, #tpu.memory_space<semaphore_mem>>) src(%arg9 : memref<128x64xf32, #tpu.memory_space<vmem>>) dst(%dma_wait3A_182 : memref<10112x64xf32, #tpu.memory_space<vmem_shared>>)
      } else {
      }
      %dma_start3A = arith.constant 0 : i32
      %dma_start3A_77 = tpu.memref_slice %arg7[%add3A_74, %dma_start3A] : memref<79x128xi32, #tpu.memory_space<vmem>> -> memref<1x128xi32, #tpu.memory_space<vmem>>
      %dma_start3A_78 = tpu.memref_squeeze %dma_start3A_77 : memref<1x128xi32, #tpu.memory_space<vmem>> -> memref<128xi32, #tpu.memory_space<vmem>>
      %dma_start3A_79 = arith.constant 0 : i32
      %dma_start3A_80 = arith.constant 0 : i32
      %dma_start3A_81 = tpu.memref_slice %arg4[%dma_start3A_79, %dma_start3A_80] : memref<10112x64xf32, #tpu.memory_space<hbm>> -> memref<10112x64xf32, #tpu.memory_space<hbm>>
      tpu.enqueue_indirect_dma source(%dma_start3A_81 : memref<10112x64xf32, #tpu.memory_space<hbm>>) target(%arg9 : memref<128x64xf32, #tpu.memory_space<vmem>>) offsets(%dma_start3A_78 : memref<128xi32, #tpu.memory_space<vmem>>) semaphore(%arg15 : memref<!tpu.dma_semaphore, #tpu.memory_space<semaphore_mem>>)
      %add3A_82 = arith.constant 1 : i32
      %add3A_83 = arith.addi %add3A_72, %add3A_82 : i32
      %gt3A_84 = arith.constant 0 : i32
      %gt3A_85 = arith.cmpi sgt, %add3A_72, %gt3A_84 : i32
      %convert_element_type3A_86 = arith.extui %gt3A_85 : i1 to i32
      %cond3A_87 = arith.constant 0 : i32
      %cond3A_88 = arith.cmpi ne, %convert_element_type3A_86, %cond3A_87 : i32
      scf.if %cond3A_88 {
        %dma_wait3A_177 = arith.constant 0 : i32
        %dma_wait3A_178 = tpu.memref_slice %arg8[%add3A_83, %dma_wait3A_177] : memref<79x128xi32, #tpu.memory_space<vmem>> -> memref<1x128xi32, #tpu.memory_space<vmem>>
        %dma_wait3A_179 = tpu.memref_squeeze %dma_wait3A_178 : memref<1x128xi32, #tpu.memory_space<vmem>> -> memref<128xi32, #tpu.memory_space<vmem>>
        %dma_wait3A_180 = arith.constant 0 : i32
        %dma_wait3A_181 = arith.constant 0 : i32
        %dma_wait3A_182 = tpu.memref_slice %arg14[%dma_wait3A_180, %dma_wait3A_181] : memref<10112x64xf32, #tpu.memory_space<vmem_shared>> -> memref<10112x64xf32, #tpu.memory_space<vmem_shared>>
        tpu.wait_indirect_dma semaphore(%arg20 : memref<!tpu.dma_semaphore, #tpu.memory_space<semaphore_mem>>) src(%arg10 : memref<128x64xf32, #tpu.memory_space<vmem>>) dst(%dma_wait3A_182 : memref<10112x64xf32, #tpu.memory_space<vmem_shared>>)
      } else {
      }
      %dma_start3A_89 = arith.constant 0 : i32
      %dma_start3A_90 = tpu.memref_slice %arg7[%add3A_83, %dma_start3A_89] : memref<79x128xi32, #tpu.memory_space<vmem>> -> memref<1x128xi32, #tpu.memory_space<vmem>>
      %dma_start3A_91 = tpu.memref_squeeze %dma_start3A_90 : memref<1x128xi32, #tpu.memory_space<vmem>> -> memref<128xi32, #tpu.memory_space<vmem>>
      %dma_start3A_92 = arith.constant 0 : i32
      %dma_start3A_93 = arith.constant 0 : i32
      %dma_start3A_94 = tpu.memref_slice %arg4[%dma_start3A_92, %dma_start3A_93] : memref<10112x64xf32, #tpu.memory_space<hbm>> -> memref<10112x64xf32, #tpu.memory_space<hbm>>
      tpu.enqueue_indirect_dma source(%dma_start3A_94 : memref<10112x64xf32, #tpu.memory_space<hbm>>) target(%arg10 : memref<128x64xf32, #tpu.memory_space<vmem>>) offsets(%dma_start3A_91 : memref<128xi32, #tpu.memory_space<vmem>>) semaphore(%arg16 : memref<!tpu.dma_semaphore, #tpu.memory_space<semaphore_mem>>)
      %add3A_95 = arith.constant 2 : i32
      %add3A_96 = arith.addi %add3A_72, %add3A_95 : i32
      %gt3A_97 = arith.constant 0 : i32
      %gt3A_98 = arith.cmpi sgt, %add3A_72, %gt3A_97 : i32
      %convert_element_type3A_99 = arith.extui %gt3A_98 : i1 to i32
      %cond3A_100 = arith.constant 0 : i32
      %cond3A_101 = arith.cmpi ne, %convert_element_type3A_99, %cond3A_100 : i32
      scf.if %cond3A_101 {
        %dma_wait3A_177 = arith.constant 0 : i32
        %dma_wait3A_178 = tpu.memref_slice %arg8[%add3A_96, %dma_wait3A_177] : memref<79x128xi32, #tpu.memory_space<vmem>> -> memref<1x128xi32, #tpu.memory_space<vmem>>
        %dma_wait3A_179 = tpu.memref_squeeze %dma_wait3A_178 : memref<1x128xi32, #tpu.memory_space<vmem>> -> memref<128xi32, #tpu.memory_space<vmem>>
        %dma_wait3A_180 = arith.constant 0 : i32
        %dma_wait3A_181 = arith.constant 0 : i32
        %dma_wait3A_182 = tpu.memref_slice %arg14[%dma_wait3A_180, %dma_wait3A_181] : memref<10112x64xf32, #tpu.memory_space<vmem_shared>> -> memref<10112x64xf32, #tpu.memory_space<vmem_shared>>
        tpu.wait_indirect_dma semaphore(%arg21 : memref<!tpu.dma_semaphore, #tpu.memory_space<semaphore_mem>>) src(%arg11 : memref<128x64xf32, #tpu.memory_space<vmem>>) dst(%dma_wait3A_182 : memref<10112x64xf32, #tpu.memory_space<vmem_shared>>)
      } else {
      }
      %dma_start3A_102 = arith.constant 0 : i32
      %dma_start3A_103 = tpu.memref_slice %arg7[%add3A_96, %dma_start3A_102] : memref<79x128xi32, #tpu.memory_space<vmem>> -> memref<1x128xi32, #tpu.memory_space<vmem>>
      %dma_start3A_104 = tpu.memref_squeeze %dma_start3A_103 : memref<1x128xi32, #tpu.memory_space<vmem>> -> memref<128xi32, #tpu.memory_space<vmem>>
      %dma_start3A_105 = arith.constant 0 : i32
      %dma_start3A_106 = arith.constant 0 : i32
      %dma_start3A_107 = tpu.memref_slice %arg4[%dma_start3A_105, %dma_start3A_106] : memref<10112x64xf32, #tpu.memory_space<hbm>> -> memref<10112x64xf32, #tpu.memory_space<hbm>>
      tpu.enqueue_indirect_dma source(%dma_start3A_107 : memref<10112x64xf32, #tpu.memory_space<hbm>>) target(%arg11 : memref<128x64xf32, #tpu.memory_space<vmem>>) offsets(%dma_start3A_104 : memref<128xi32, #tpu.memory_space<vmem>>) semaphore(%arg17 : memref<!tpu.dma_semaphore, #tpu.memory_space<semaphore_mem>>)
      %add3A_108 = arith.constant 3 : i32
      %add3A_109 = arith.addi %add3A_72, %add3A_108 : i32
      %gt3A_110 = arith.constant 0 : i32
      %gt3A_111 = arith.cmpi sgt, %add3A_72, %gt3A_110 : i32
      %convert_element_type3A_112 = arith.extui %gt3A_111 : i1 to i32
      %cond3A_113 = arith.constant 0 : i32
      %cond3A_114 = arith.cmpi ne, %convert_element_type3A_112, %cond3A_113 : i32
      scf.if %cond3A_114 {
        %dma_wait3A_177 = arith.constant 0 : i32
        %dma_wait3A_178 = tpu.memref_slice %arg8[%add3A_109, %dma_wait3A_177] : memref<79x128xi32, #tpu.memory_space<vmem>> -> memref<1x128xi32, #tpu.memory_space<vmem>>
        %dma_wait3A_179 = tpu.memref_squeeze %dma_wait3A_178 : memref<1x128xi32, #tpu.memory_space<vmem>> -> memref<128xi32, #tpu.memory_space<vmem>>
        %dma_wait3A_180 = arith.constant 0 : i32
        %dma_wait3A_181 = arith.constant 0 : i32
        %dma_wait3A_182 = tpu.memref_slice %arg14[%dma_wait3A_180, %dma_wait3A_181] : memref<10112x64xf32, #tpu.memory_space<vmem_shared>> -> memref<10112x64xf32, #tpu.memory_space<vmem_shared>>
        tpu.wait_indirect_dma semaphore(%arg22 : memref<!tpu.dma_semaphore, #tpu.memory_space<semaphore_mem>>) src(%arg12 : memref<128x64xf32, #tpu.memory_space<vmem>>) dst(%dma_wait3A_182 : memref<10112x64xf32, #tpu.memory_space<vmem_shared>>)
      } else {
      }
      %dma_start3A_115 = arith.constant 0 : i32
      %dma_start3A_116 = tpu.memref_slice %arg7[%add3A_109, %dma_start3A_115] : memref<79x128xi32, #tpu.memory_space<vmem>> -> memref<1x128xi32, #tpu.memory_space<vmem>>
      %dma_start3A_117 = tpu.memref_squeeze %dma_start3A_116 : memref<1x128xi32, #tpu.memory_space<vmem>> -> memref<128xi32, #tpu.memory_space<vmem>>
      %dma_start3A_118 = arith.constant 0 : i32
      %dma_start3A_119 = arith.constant 0 : i32
      %dma_start3A_120 = tpu.memref_slice %arg4[%dma_start3A_118, %dma_start3A_119] : memref<10112x64xf32, #tpu.memory_space<hbm>> -> memref<10112x64xf32, #tpu.memory_space<hbm>>
      tpu.enqueue_indirect_dma source(%dma_start3A_120 : memref<10112x64xf32, #tpu.memory_space<hbm>>) target(%arg12 : memref<128x64xf32, #tpu.memory_space<vmem>>) offsets(%dma_start3A_117 : memref<128xi32, #tpu.memory_space<vmem>>) semaphore(%arg18 : memref<!tpu.dma_semaphore, #tpu.memory_space<semaphore_mem>>)
      %add3A_121 = arith.constant 0 : i32
      %add3A_122 = arith.addi %add3A_72, %add3A_121 : i32
      %dma_wait3A_123 = arith.constant 0 : i32
      %dma_wait3A_124 = tpu.memref_slice %arg7[%add3A_122, %dma_wait3A_123] : memref<79x128xi32, #tpu.memory_space<vmem>> -> memref<1x128xi32, #tpu.memory_space<vmem>>
      %dma_wait3A_125 = tpu.memref_squeeze %dma_wait3A_124 : memref<1x128xi32, #tpu.memory_space<vmem>> -> memref<128xi32, #tpu.memory_space<vmem>>
      %dma_wait3A_126 = arith.constant 0 : i32
      %dma_wait3A_127 = arith.constant 0 : i32
      %dma_wait3A_128 = tpu.memref_slice %arg4[%dma_wait3A_126, %dma_wait3A_127] : memref<10112x64xf32, #tpu.memory_space<hbm>> -> memref<10112x64xf32, #tpu.memory_space<hbm>>
      tpu.wait_indirect_dma semaphore(%arg15 : memref<!tpu.dma_semaphore, #tpu.memory_space<semaphore_mem>>) src(%dma_wait3A_128 : memref<10112x64xf32, #tpu.memory_space<hbm>>) dst(%arg9 : memref<128x64xf32, #tpu.memory_space<vmem>>)
      %dma_start3A_129 = arith.constant 0 : i32
      %dma_start3A_130 = tpu.memref_slice %arg8[%add3A_122, %dma_start3A_129] : memref<79x128xi32, #tpu.memory_space<vmem>> -> memref<1x128xi32, #tpu.memory_space<vmem>>
      %dma_start3A_131 = tpu.memref_squeeze %dma_start3A_130 : memref<1x128xi32, #tpu.memory_space<vmem>> -> memref<128xi32, #tpu.memory_space<vmem>>
      %dma_start3A_132 = arith.constant 0 : i32
      %dma_start3A_133 = arith.constant 0 : i32
      %dma_start3A_134 = tpu.memref_slice %arg14[%dma_start3A_132, %dma_start3A_133] : memref<10112x64xf32, #tpu.memory_space<vmem_shared>> -> memref<10112x64xf32, #tpu.memory_space<vmem_shared>>
      tpu.enqueue_indirect_dma source(%arg9 : memref<128x64xf32, #tpu.memory_space<vmem>>) target(%dma_start3A_134 : memref<10112x64xf32, #tpu.memory_space<vmem_shared>>) offsets(%dma_start3A_131 : memref<128xi32, #tpu.memory_space<vmem>>) semaphore(%arg19 : memref<!tpu.dma_semaphore, #tpu.memory_space<semaphore_mem>>) {add = true}
      %add3A_135 = arith.constant 1 : i32
      %add3A_136 = arith.addi %add3A_72, %add3A_135 : i32
      %dma_wait3A_137 = arith.constant 0 : i32
      %dma_wait3A_138 = tpu.memref_slice %arg7[%add3A_136, %dma_wait3A_137] : memref<79x128xi32, #tpu.memory_space<vmem>> -> memref<1x128xi32, #tpu.memory_space<vmem>>
      %dma_wait3A_139 = tpu.memref_squeeze %dma_wait3A_138 : memref<1x128xi32, #tpu.memory_space<vmem>> -> memref<128xi32, #tpu.memory_space<vmem>>
      %dma_wait3A_140 = arith.constant 0 : i32
      %dma_wait3A_141 = arith.constant 0 : i32
      %dma_wait3A_142 = tpu.memref_slice %arg4[%dma_wait3A_140, %dma_wait3A_141] : memref<10112x64xf32, #tpu.memory_space<hbm>> -> memref<10112x64xf32, #tpu.memory_space<hbm>>
      tpu.wait_indirect_dma semaphore(%arg16 : memref<!tpu.dma_semaphore, #tpu.memory_space<semaphore_mem>>) src(%dma_wait3A_142 : memref<10112x64xf32, #tpu.memory_space<hbm>>) dst(%arg10 : memref<128x64xf32, #tpu.memory_space<vmem>>)
      %dma_start3A_143 = arith.constant 0 : i32
      %dma_start3A_144 = tpu.memref_slice %arg8[%add3A_136, %dma_start3A_143] : memref<79x128xi32, #tpu.memory_space<vmem>> -> memref<1x128xi32, #tpu.memory_space<vmem>>
      %dma_start3A_145 = tpu.memref_squeeze %dma_start3A_144 : memref<1x128xi32, #tpu.memory_space<vmem>> -> memref<128xi32, #tpu.memory_space<vmem>>
      %dma_start3A_146 = arith.constant 0 : i32
      %dma_start3A_147 = arith.constant 0 : i32
      %dma_start3A_148 = tpu.memref_slice %arg14[%dma_start3A_146, %dma_start3A_147] : memref<10112x64xf32, #tpu.memory_space<vmem_shared>> -> memref<10112x64xf32, #tpu.memory_space<vmem_shared>>
      tpu.enqueue_indirect_dma source(%arg10 : memref<128x64xf32, #tpu.memory_space<vmem>>) target(%dma_start3A_148 : memref<10112x64xf32, #tpu.memory_space<vmem_shared>>) offsets(%dma_start3A_145 : memref<128xi32, #tpu.memory_space<vmem>>) semaphore(%arg20 : memref<!tpu.dma_semaphore, #tpu.memory_space<semaphore_mem>>) {add = true}
      %add3A_149 = arith.constant 2 : i32
      %add3A_150 = arith.addi %add3A_72, %add3A_149 : i32
      %dma_wait3A_151 = arith.constant 0 : i32
      %dma_wait3A_152 = tpu.memref_slice %arg7[%add3A_150, %dma_wait3A_151] : memref<79x128xi32, #tpu.memory_space<vmem>> -> memref<1x128xi32, #tpu.memory_space<vmem>>
      %dma_wait3A_153 = tpu.memref_squeeze %dma_wait3A_152 : memref<1x128xi32, #tpu.memory_space<vmem>> -> memref<128xi32, #tpu.memory_space<vmem>>
      %dma_wait3A_154 = arith.constant 0 : i32
      %dma_wait3A_155 = arith.constant 0 : i32
      %dma_wait3A_156 = tpu.memref_slice %arg4[%dma_wait3A_154, %dma_wait3A_155] : memref<10112x64xf32, #tpu.memory_space<hbm>> -> memref<10112x64xf32, #tpu.memory_space<hbm>>
      tpu.wait_indirect_dma semaphore(%arg17 : memref<!tpu.dma_semaphore, #tpu.memory_space<semaphore_mem>>) src(%dma_wait3A_156 : memref<10112x64xf32, #tpu.memory_space<hbm>>) dst(%arg11 : memref<128x64xf32, #tpu.memory_space<vmem>>)
      %dma_start3A_157 = arith.constant 0 : i32
      %dma_start3A_158 = tpu.memref_slice %arg8[%add3A_150, %dma_start3A_157] : memref<79x128xi32, #tpu.memory_space<vmem>> -> memref<1x128xi32, #tpu.memory_space<vmem>>
      %dma_start3A_159 = tpu.memref_squeeze %dma_start3A_158 : memref<1x128xi32, #tpu.memory_space<vmem>> -> memref<128xi32, #tpu.memory_space<vmem>>
      %dma_start3A_160 = arith.constant 0 : i32
      %dma_start3A_161 = arith.constant 0 : i32
      %dma_start3A_162 = tpu.memref_slice %arg14[%dma_start3A_160, %dma_start3A_161] : memref<10112x64xf32, #tpu.memory_space<vmem_shared>> -> memref<10112x64xf32, #tpu.memory_space<vmem_shared>>
      tpu.enqueue_indirect_dma source(%arg11 : memref<128x64xf32, #tpu.memory_space<vmem>>) target(%dma_start3A_162 : memref<10112x64xf32, #tpu.memory_space<vmem_shared>>) offsets(%dma_start3A_159 : memref<128xi32, #tpu.memory_space<vmem>>) semaphore(%arg21 : memref<!tpu.dma_semaphore, #tpu.memory_space<semaphore_mem>>) {add = true}
      %add3A_163 = arith.constant 3 : i32
      %add3A_164 = arith.addi %add3A_72, %add3A_163 : i32
      %dma_wait3A_165 = arith.constant 0 : i32
      %dma_wait3A_166 = tpu.memref_slice %arg7[%add3A_164, %dma_wait3A_165] : memref<79x128xi32, #tpu.memory_space<vmem>> -> memref<1x128xi32, #tpu.memory_space<vmem>>
      %dma_wait3A_167 = tpu.memref_squeeze %dma_wait3A_166 : memref<1x128xi32, #tpu.memory_space<vmem>> -> memref<128xi32, #tpu.memory_space<vmem>>
      %dma_wait3A_168 = arith.constant 0 : i32
      %dma_wait3A_169 = arith.constant 0 : i32
      %dma_wait3A_170 = tpu.memref_slice %arg4[%dma_wait3A_168, %dma_wait3A_169] : memref<10112x64xf32, #tpu.memory_space<hbm>> -> memref<10112x64xf32, #tpu.memory_space<hbm>>
      tpu.wait_indirect_dma semaphore(%arg18 : memref<!tpu.dma_semaphore, #tpu.memory_space<semaphore_mem>>) src(%dma_wait3A_170 : memref<10112x64xf32, #tpu.memory_space<hbm>>) dst(%arg12 : memref<128x64xf32, #tpu.memory_space<vmem>>)
      %dma_start3A_171 = arith.constant 0 : i32
      %dma_start3A_172 = tpu.memref_slice %arg8[%add3A_164, %dma_start3A_171] : memref<79x128xi32, #tpu.memory_space<vmem>> -> memref<1x128xi32, #tpu.memory_space<vmem>>
      %dma_start3A_173 = tpu.memref_squeeze %dma_start3A_172 : memref<1x128xi32, #tpu.memory_space<vmem>> -> memref<128xi32, #tpu.memory_space<vmem>>
      %dma_start3A_174 = arith.constant 0 : i32
      %dma_start3A_175 = arith.constant 0 : i32
      %dma_start3A_176 = tpu.memref_slice %arg14[%dma_start3A_174, %dma_start3A_175] : memref<10112x64xf32, #tpu.memory_space<vmem_shared>> -> memref<10112x64xf32, #tpu.memory_space<vmem_shared>>
      tpu.enqueue_indirect_dma source(%arg12 : memref<128x64xf32, #tpu.memory_space<vmem>>) target(%dma_start3A_176 : memref<10112x64xf32, #tpu.memory_space<vmem_shared>>) offsets(%dma_start3A_173 : memref<128xi32, #tpu.memory_space<vmem>>) semaphore(%arg22 : memref<!tpu.dma_semaphore, #tpu.memory_space<semaphore_mem>>) {add = true}
    }
    %scan3A_18 = arith.constant 19 : i32
    %dma_wait3A = arith.constant 72 : i32
    %dma_wait3A_19 = arith.constant 0 : i32
    %dma_wait3A_20 = tpu.memref_slice %arg8[%dma_wait3A, %dma_wait3A_19] : memref<79x128xi32, #tpu.memory_space<vmem>> -> memref<1x128xi32, #tpu.memory_space<vmem>>
    %dma_wait3A_21 = tpu.memref_squeeze %dma_wait3A_20 : memref<1x128xi32, #tpu.memory_space<vmem>> -> memref<128xi32, #tpu.memory_space<vmem>>
    %dma_wait3A_22 = arith.constant 0 : i32
    %dma_wait3A_23 = arith.constant 0 : i32
    %dma_wait3A_24 = tpu.memref_slice %arg14[%dma_wait3A_22, %dma_wait3A_23] : memref<10112x64xf32, #tpu.memory_space<vmem_shared>> -> memref<10112x64xf32, #tpu.memory_space<vmem_shared>>
    tpu.wait_indirect_dma semaphore(%arg19 : memref<!tpu.dma_semaphore, #tpu.memory_space<semaphore_mem>>) src(%arg9 : memref<128x64xf32, #tpu.memory_space<vmem>>) dst(%dma_wait3A_24 : memref<10112x64xf32, #tpu.memory_space<vmem_shared>>)
    %dma_wait3A_25 = arith.constant 73 : i32
    %dma_wait3A_26 = arith.constant 0 : i32
    %dma_wait3A_27 = tpu.memref_slice %arg8[%dma_wait3A_25, %dma_wait3A_26] : memref<79x128xi32, #tpu.memory_space<vmem>> -> memref<1x128xi32, #tpu.memory_space<vmem>>
    %dma_wait3A_28 = tpu.memref_squeeze %dma_wait3A_27 : memref<1x128xi32, #tpu.memory_space<vmem>> -> memref<128xi32, #tpu.memory_space<vmem>>
    %dma_wait3A_29 = arith.constant 0 : i32
    %dma_wait3A_30 = arith.constant 0 : i32
    %dma_wait3A_31 = tpu.memref_slice %arg14[%dma_wait3A_29, %dma_wait3A_30] : memref<10112x64xf32, #tpu.memory_space<vmem_shared>> -> memref<10112x64xf32, #tpu.memory_space<vmem_shared>>
    tpu.wait_indirect_dma semaphore(%arg20 : memref<!tpu.dma_semaphore, #tpu.memory_space<semaphore_mem>>) src(%arg10 : memref<128x64xf32, #tpu.memory_space<vmem>>) dst(%dma_wait3A_31 : memref<10112x64xf32, #tpu.memory_space<vmem_shared>>)
    %dma_wait3A_32 = arith.constant 74 : i32
    %dma_wait3A_33 = arith.constant 0 : i32
    %dma_wait3A_34 = tpu.memref_slice %arg8[%dma_wait3A_32, %dma_wait3A_33] : memref<79x128xi32, #tpu.memory_space<vmem>> -> memref<1x128xi32, #tpu.memory_space<vmem>>
    %dma_wait3A_35 = tpu.memref_squeeze %dma_wait3A_34 : memref<1x128xi32, #tpu.memory_space<vmem>> -> memref<128xi32, #tpu.memory_space<vmem>>
    %dma_wait3A_36 = arith.constant 0 : i32
    %dma_wait3A_37 = arith.constant 0 : i32
    %dma_wait3A_38 = tpu.memref_slice %arg14[%dma_wait3A_36, %dma_wait3A_37] : memref<10112x64xf32, #tpu.memory_space<vmem_shared>> -> memref<10112x64xf32, #tpu.memory_space<vmem_shared>>
    tpu.wait_indirect_dma semaphore(%arg21 : memref<!tpu.dma_semaphore, #tpu.memory_space<semaphore_mem>>) src(%arg11 : memref<128x64xf32, #tpu.memory_space<vmem>>) dst(%dma_wait3A_38 : memref<10112x64xf32, #tpu.memory_space<vmem_shared>>)
    %dma_wait3A_39 = arith.constant 75 : i32
    %dma_wait3A_40 = arith.constant 0 : i32
    %dma_wait3A_41 = tpu.memref_slice %arg8[%dma_wait3A_39, %dma_wait3A_40] : memref<79x128xi32, #tpu.memory_space<vmem>> -> memref<1x128xi32, #tpu.memory_space<vmem>>
    %dma_wait3A_42 = tpu.memref_squeeze %dma_wait3A_41 : memref<1x128xi32, #tpu.memory_space<vmem>> -> memref<128xi32, #tpu.memory_space<vmem>>
    %dma_wait3A_43 = arith.constant 0 : i32
    %dma_wait3A_44 = arith.constant 0 : i32
    %dma_wait3A_45 = tpu.memref_slice %arg14[%dma_wait3A_43, %dma_wait3A_44] : memref<10112x64xf32, #tpu.memory_space<vmem_shared>> -> memref<10112x64xf32, #tpu.memory_space<vmem_shared>>
    tpu.wait_indirect_dma semaphore(%arg22 : memref<!tpu.dma_semaphore, #tpu.memory_space<semaphore_mem>>) src(%arg12 : memref<128x64xf32, #tpu.memory_space<vmem>>) dst(%dma_wait3A_45 : memref<10112x64xf32, #tpu.memory_space<vmem_shared>>)
    %run_scoped3A = arith.constant 76 : i32
    "tpu.region"() ({
      %run_scoped3A_68 = tpu.sem_alloc : memref<!tpu.dma_semaphore, #tpu.memory_space<semaphore_mem>>
      %dma_start3A = arith.constant 0 : i32
      %dma_start3A_69 = tpu.memref_slice %arg7[%run_scoped3A, %dma_start3A] : memref<79x128xi32, #tpu.memory_space<vmem>> -> memref<1x128xi32, #tpu.memory_space<vmem>>
      %dma_start3A_70 = tpu.memref_squeeze %dma_start3A_69 : memref<1x128xi32, #tpu.memory_space<vmem>> -> memref<128xi32, #tpu.memory_space<vmem>>
      %dma_start3A_71 = arith.constant 0 : i32
      %dma_start3A_72 = arith.constant 0 : i32
      %dma_start3A_73 = tpu.memref_slice %arg4[%dma_start3A_71, %dma_start3A_72] : memref<10112x64xf32, #tpu.memory_space<hbm>> -> memref<10112x64xf32, #tpu.memory_space<hbm>>
      tpu.enqueue_indirect_dma source(%dma_start3A_73 : memref<10112x64xf32, #tpu.memory_space<hbm>>) target(%arg9 : memref<128x64xf32, #tpu.memory_space<vmem>>) offsets(%dma_start3A_70 : memref<128xi32, #tpu.memory_space<vmem>>) semaphore(%run_scoped3A_68 : memref<!tpu.dma_semaphore, #tpu.memory_space<semaphore_mem>>)
      %dma_wait3A_74 = arith.constant 0 : i32
      %dma_wait3A_75 = tpu.memref_slice %arg7[%run_scoped3A, %dma_wait3A_74] : memref<79x128xi32, #tpu.memory_space<vmem>> -> memref<1x128xi32, #tpu.memory_space<vmem>>
      %dma_wait3A_76 = tpu.memref_squeeze %dma_wait3A_75 : memref<1x128xi32, #tpu.memory_space<vmem>> -> memref<128xi32, #tpu.memory_space<vmem>>
      %dma_wait3A_77 = arith.constant 0 : i32
      %dma_wait3A_78 = arith.constant 0 : i32
      %dma_wait3A_79 = tpu.memref_slice %arg4[%dma_wait3A_77, %dma_wait3A_78] : memref<10112x64xf32, #tpu.memory_space<hbm>> -> memref<10112x64xf32, #tpu.memory_space<hbm>>
      tpu.wait_indirect_dma semaphore(%run_scoped3A_68 : memref<!tpu.dma_semaphore, #tpu.memory_space<semaphore_mem>>) src(%dma_wait3A_79 : memref<10112x64xf32, #tpu.memory_space<hbm>>) dst(%arg9 : memref<128x64xf32, #tpu.memory_space<vmem>>)
      tpu.yield
    }) : () -> ()
    %run_scoped3A_46 = arith.constant 76 : i32
    "tpu.region"() ({
      %run_scoped3A_68 = tpu.sem_alloc : memref<!tpu.dma_semaphore, #tpu.memory_space<semaphore_mem>>
      %dma_start3A = arith.constant 0 : i32
      %dma_start3A_69 = tpu.memref_slice %arg8[%run_scoped3A_46, %dma_start3A] : memref<79x128xi32, #tpu.memory_space<vmem>> -> memref<1x128xi32, #tpu.memory_space<vmem>>
      %dma_start3A_70 = tpu.memref_squeeze %dma_start3A_69 : memref<1x128xi32, #tpu.memory_space<vmem>> -> memref<128xi32, #tpu.memory_space<vmem>>
      %dma_start3A_71 = arith.constant 0 : i32
      %dma_start3A_72 = arith.constant 0 : i32
      %dma_start3A_73 = tpu.memref_slice %arg14[%dma_start3A_71, %dma_start3A_72] : memref<10112x64xf32, #tpu.memory_space<vmem_shared>> -> memref<10112x64xf32, #tpu.memory_space<vmem_shared>>
      tpu.enqueue_indirect_dma source(%arg9 : memref<128x64xf32, #tpu.memory_space<vmem>>) target(%dma_start3A_73 : memref<10112x64xf32, #tpu.memory_space<vmem_shared>>) offsets(%dma_start3A_70 : memref<128xi32, #tpu.memory_space<vmem>>) semaphore(%run_scoped3A_68 : memref<!tpu.dma_semaphore, #tpu.memory_space<semaphore_mem>>) {add = true}
      %dma_wait3A_74 = arith.constant 0 : i32
      %dma_wait3A_75 = tpu.memref_slice %arg8[%run_scoped3A_46, %dma_wait3A_74] : memref<79x128xi32, #tpu.memory_space<vmem>> -> memref<1x128xi32, #tpu.memory_space<vmem>>
      %dma_wait3A_76 = tpu.memref_squeeze %dma_wait3A_75 : memref<1x128xi32, #tpu.memory_space<vmem>> -> memref<128xi32, #tpu.memory_space<vmem>>
      %dma_wait3A_77 = arith.constant 0 : i32
      %dma_wait3A_78 = arith.constant 0 : i32
      %dma_wait3A_79 = tpu.memref_slice %arg14[%dma_wait3A_77, %dma_wait3A_78] : memref<10112x64xf32, #tpu.memory_space<vmem_shared>> -> memref<10112x64xf32, #tpu.memory_space<vmem_shared>>
      tpu.wait_indirect_dma semaphore(%run_scoped3A_68 : memref<!tpu.dma_semaphore, #tpu.memory_space<semaphore_mem>>) src(%arg9 : memref<128x64xf32, #tpu.memory_space<vmem>>) dst(%dma_wait3A_79 : memref<10112x64xf32, #tpu.memory_space<vmem_shared>>)
      tpu.yield
    }) : () -> ()
    %run_scoped3A_47 = arith.constant 77 : i32
    "tpu.region"() ({
      %run_scoped3A_68 = tpu.sem_alloc : memref<!tpu.dma_semaphore, #tpu.memory_space<semaphore_mem>>
      %dma_start3A = arith.constant 0 : i32
      %dma_start3A_69 = tpu.memref_slice %arg7[%run_scoped3A_47, %dma_start3A] : memref<79x128xi32, #tpu.memory_space<vmem>> -> memref<1x128xi32, #tpu.memory_space<vmem>>
      %dma_start3A_70 = tpu.memref_squeeze %dma_start3A_69 : memref<1x128xi32, #tpu.memory_space<vmem>> -> memref<128xi32, #tpu.memory_space<vmem>>
      %dma_start3A_71 = arith.constant 0 : i32
      %dma_start3A_72 = arith.constant 0 : i32
      %dma_start3A_73 = tpu.memref_slice %arg4[%dma_start3A_71, %dma_start3A_72] : memref<10112x64xf32, #tpu.memory_space<hbm>> -> memref<10112x64xf32, #tpu.memory_space<hbm>>
      tpu.enqueue_indirect_dma source(%dma_start3A_73 : memref<10112x64xf32, #tpu.memory_space<hbm>>) target(%arg9 : memref<128x64xf32, #tpu.memory_space<vmem>>) offsets(%dma_start3A_70 : memref<128xi32, #tpu.memory_space<vmem>>) semaphore(%run_scoped3A_68 : memref<!tpu.dma_semaphore, #tpu.memory_space<semaphore_mem>>)
      %dma_wait3A_74 = arith.constant 0 : i32
      %dma_wait3A_75 = tpu.memref_slice %arg7[%run_scoped3A_47, %dma_wait3A_74] : memref<79x128xi32, #tpu.memory_space<vmem>> -> memref<1x128xi32, #tpu.memory_space<vmem>>
      %dma_wait3A_76 = tpu.memref_squeeze %dma_wait3A_75 : memref<1x128xi32, #tpu.memory_space<vmem>> -> memref<128xi32, #tpu.memory_space<vmem>>
      %dma_wait3A_77 = arith.constant 0 : i32
      %dma_wait3A_78 = arith.constant 0 : i32
      %dma_wait3A_79 = tpu.memref_slice %arg4[%dma_wait3A_77, %dma_wait3A_78] : memref<10112x64xf32, #tpu.memory_space<hbm>> -> memref<10112x64xf32, #tpu.memory_space<hbm>>
      tpu.wait_indirect_dma semaphore(%run_scoped3A_68 : memref<!tpu.dma_semaphore, #tpu.memory_space<semaphore_mem>>) src(%dma_wait3A_79 : memref<10112x64xf32, #tpu.memory_space<hbm>>) dst(%arg9 : memref<128x64xf32, #tpu.memory_space<vmem>>)
      tpu.yield
    }) : () -> ()
    %run_scoped3A_48 = arith.constant 77 : i32
    "tpu.region"() ({
      %run_scoped3A_68 = tpu.sem_alloc : memref<!tpu.dma_semaphore, #tpu.memory_space<semaphore_mem>>
      %dma_start3A = arith.constant 0 : i32
      %dma_start3A_69 = tpu.memref_slice %arg8[%run_scoped3A_48, %dma_start3A] : memref<79x128xi32, #tpu.memory_space<vmem>> -> memref<1x128xi32, #tpu.memory_space<vmem>>
      %dma_start3A_70 = tpu.memref_squeeze %dma_start3A_69 : memref<1x128xi32, #tpu.memory_space<vmem>> -> memref<128xi32, #tpu.memory_space<vmem>>
      %dma_start3A_71 = arith.constant 0 : i32
      %dma_start3A_72 = arith.constant 0 : i32
      %dma_start3A_73 = tpu.memref_slice %arg14[%dma_start3A_71, %dma_start3A_72] : memref<10112x64xf32, #tpu.memory_space<vmem_shared>> -> memref<10112x64xf32, #tpu.memory_space<vmem_shared>>
      tpu.enqueue_indirect_dma source(%arg9 : memref<128x64xf32, #tpu.memory_space<vmem>>) target(%dma_start3A_73 : memref<10112x64xf32, #tpu.memory_space<vmem_shared>>) offsets(%dma_start3A_70 : memref<128xi32, #tpu.memory_space<vmem>>) semaphore(%run_scoped3A_68 : memref<!tpu.dma_semaphore, #tpu.memory_space<semaphore_mem>>) {add = true}
      %dma_wait3A_74 = arith.constant 0 : i32
      %dma_wait3A_75 = tpu.memref_slice %arg8[%run_scoped3A_48, %dma_wait3A_74] : memref<79x128xi32, #tpu.memory_space<vmem>> -> memref<1x128xi32, #tpu.memory_space<vmem>>
      %dma_wait3A_76 = tpu.memref_squeeze %dma_wait3A_75 : memref<1x128xi32, #tpu.memory_space<vmem>> -> memref<128xi32, #tpu.memory_space<vmem>>
      %dma_wait3A_77 = arith.constant 0 : i32
      %dma_wait3A_78 = arith.constant 0 : i32
      %dma_wait3A_79 = tpu.memref_slice %arg14[%dma_wait3A_77, %dma_wait3A_78] : memref<10112x64xf32, #tpu.memory_space<vmem_shared>> -> memref<10112x64xf32, #tpu.memory_space<vmem_shared>>
      tpu.wait_indirect_dma semaphore(%run_scoped3A_68 : memref<!tpu.dma_semaphore, #tpu.memory_space<semaphore_mem>>) src(%arg9 : memref<128x64xf32, #tpu.memory_space<vmem>>) dst(%dma_wait3A_79 : memref<10112x64xf32, #tpu.memory_space<vmem_shared>>)
      tpu.yield
    }) : () -> ()
    %run_scoped3A_49 = arith.constant 78 : i32
    "tpu.region"() ({
      %run_scoped3A_68 = tpu.sem_alloc : memref<!tpu.dma_semaphore, #tpu.memory_space<semaphore_mem>>
      %dma_start3A = arith.constant 0 : i32
      %dma_start3A_69 = tpu.memref_slice %arg7[%run_scoped3A_49, %dma_start3A] : memref<79x128xi32, #tpu.memory_space<vmem>> -> memref<1x128xi32, #tpu.memory_space<vmem>>
      %dma_start3A_70 = tpu.memref_squeeze %dma_start3A_69 : memref<1x128xi32, #tpu.memory_space<vmem>> -> memref<128xi32, #tpu.memory_space<vmem>>
      %dma_start3A_71 = arith.constant 0 : i32
      %dma_start3A_72 = arith.constant 0 : i32
      %dma_start3A_73 = tpu.memref_slice %arg4[%dma_start3A_71, %dma_start3A_72] : memref<10112x64xf32, #tpu.memory_space<hbm>> -> memref<10112x64xf32, #tpu.memory_space<hbm>>
      tpu.enqueue_indirect_dma source(%dma_start3A_73 : memref<10112x64xf32, #tpu.memory_space<hbm>>) target(%arg9 : memref<128x64xf32, #tpu.memory_space<vmem>>) offsets(%dma_start3A_70 : memref<128xi32, #tpu.memory_space<vmem>>) semaphore(%run_scoped3A_68 : memref<!tpu.dma_semaphore, #tpu.memory_space<semaphore_mem>>)
      %dma_wait3A_74 = arith.constant 0 : i32
      %dma_wait3A_75 = tpu.memref_slice %arg7[%run_scoped3A_49, %dma_wait3A_74] : memref<79x128xi32, #tpu.memory_space<vmem>> -> memref<1x128xi32, #tpu.memory_space<vmem>>
      %dma_wait3A_76 = tpu.memref_squeeze %dma_wait3A_75 : memref<1x128xi32, #tpu.memory_space<vmem>> -> memref<128xi32, #tpu.memory_space<vmem>>
      %dma_wait3A_77 = arith.constant 0 : i32
      %dma_wait3A_78 = arith.constant 0 : i32
      %dma_wait3A_79 = tpu.memref_slice %arg4[%dma_wait3A_77, %dma_wait3A_78] : memref<10112x64xf32, #tpu.memory_space<hbm>> -> memref<10112x64xf32, #tpu.memory_space<hbm>>
      tpu.wait_indirect_dma semaphore(%run_scoped3A_68 : memref<!tpu.dma_semaphore, #tpu.memory_space<semaphore_mem>>) src(%dma_wait3A_79 : memref<10112x64xf32, #tpu.memory_space<hbm>>) dst(%arg9 : memref<128x64xf32, #tpu.memory_space<vmem>>)
      tpu.yield
    }) : () -> ()
    %run_scoped3A_50 = arith.constant 78 : i32
    "tpu.region"() ({
      %run_scoped3A_68 = tpu.sem_alloc : memref<!tpu.dma_semaphore, #tpu.memory_space<semaphore_mem>>
      %dma_start3A = arith.constant 0 : i32
      %dma_start3A_69 = tpu.memref_slice %arg8[%run_scoped3A_50, %dma_start3A] : memref<79x128xi32, #tpu.memory_space<vmem>> -> memref<1x128xi32, #tpu.memory_space<vmem>>
      %dma_start3A_70 = tpu.memref_squeeze %dma_start3A_69 : memref<1x128xi32, #tpu.memory_space<vmem>> -> memref<128xi32, #tpu.memory_space<vmem>>
      %dma_start3A_71 = arith.constant 0 : i32
      %dma_start3A_72 = arith.constant 0 : i32
      %dma_start3A_73 = tpu.memref_slice %arg14[%dma_start3A_71, %dma_start3A_72] : memref<10112x64xf32, #tpu.memory_space<vmem_shared>> -> memref<10112x64xf32, #tpu.memory_space<vmem_shared>>
      tpu.enqueue_indirect_dma source(%arg9 : memref<128x64xf32, #tpu.memory_space<vmem>>) target(%dma_start3A_73 : memref<10112x64xf32, #tpu.memory_space<vmem_shared>>) offsets(%dma_start3A_70 : memref<128xi32, #tpu.memory_space<vmem>>) semaphore(%run_scoped3A_68 : memref<!tpu.dma_semaphore, #tpu.memory_space<semaphore_mem>>) {add = true}
      %dma_wait3A_74 = arith.constant 0 : i32
      %dma_wait3A_75 = tpu.memref_slice %arg8[%run_scoped3A_50, %dma_wait3A_74] : memref<79x128xi32, #tpu.memory_space<vmem>> -> memref<1x128xi32, #tpu.memory_space<vmem>>
      %dma_wait3A_76 = tpu.memref_squeeze %dma_wait3A_75 : memref<1x128xi32, #tpu.memory_space<vmem>> -> memref<128xi32, #tpu.memory_space<vmem>>
      %dma_wait3A_77 = arith.constant 0 : i32
      %dma_wait3A_78 = arith.constant 0 : i32
      %dma_wait3A_79 = tpu.memref_slice %arg14[%dma_wait3A_77, %dma_wait3A_78] : memref<10112x64xf32, #tpu.memory_space<vmem_shared>> -> memref<10112x64xf32, #tpu.memory_space<vmem_shared>>
      tpu.wait_indirect_dma semaphore(%run_scoped3A_68 : memref<!tpu.dma_semaphore, #tpu.memory_space<semaphore_mem>>) src(%arg9 : memref<128x64xf32, #tpu.memory_space<vmem>>) dst(%dma_wait3A_79 : memref<10112x64xf32, #tpu.memory_space<vmem_shared>>)
      tpu.yield
    }) : () -> ()
    %barrier3A_51 = arith.constant 0 : index
    tpu.barrier barrier_id(%barrier3A_51)
    %scan3A_52 = arith.constant 0 : i32
    %scan3A_53 = arith.constant 4 : i32
    %scan3A_54 = arith.addi %scan3A_52, %scan3A_53 : i32
    %scan3A_55 = arith.constant 1 : i32
    scf.for %scan3A_68 = %scan3A_52 to %scan3A_54 step %scan3A_55  : i32 {
      %mul3A_69 = arith.constant 128 : i32
      %mul3A_70 = arith.muli %scan3A_68, %mul3A_69 : i32
      %add3A_71 = arith.constant 0 : i32
      %add3A_72 = arith.addi %add3A_71, %mul3A_70 : i32
      %mul3A_73 = arith.constant 632 : i32
      %mul3A_74 = arith.muli %arg1, %mul3A_73 : i32
      %add3A_75 = arith.addi %mul3A_74, %add3A_72 : i32
      "tpu.region"() ({
        %run_scoped3A_82 = tpu.sem_alloc : memref<!tpu.dma_semaphore, #tpu.memory_space<semaphore_mem>>
        %dma_start3A = arith.constant 0 : i32
        %dma_start3A_83 = tpu.memref_slice %arg14[%add3A_75, %dma_start3A] : memref<10112x64xf32, #tpu.memory_space<vmem_shared>> -> memref<128x64xf32, #tpu.memory_space<vmem_shared>>
        %dma_start3A_84 = arith.constant 0 : i32
        %dma_start3A_85 = tpu.memref_slice %arg14[%add3A_75, %dma_start3A_84] : memref<10112x64xf32, #tpu.memory_space<vmem_shared>> -> memref<128x64xf32, #tpu.memory_space<vmem_shared>>
        tpu.enqueue_dma source(%dma_start3A_85 : memref<128x64xf32, #tpu.memory_space<vmem_shared>>) target(%arg9 : memref<128x64xf32, #tpu.memory_space<vmem>>) target_semaphore(%run_scoped3A_82 : memref<!tpu.dma_semaphore, #tpu.memory_space<semaphore_mem>>)
        %dma_wait3A_86 = arith.constant 0 : i32
        %dma_wait3A_87 = tpu.memref_slice %arg14[%add3A_75, %dma_wait3A_86] : memref<10112x64xf32, #tpu.memory_space<vmem_shared>> -> memref<128x64xf32, #tpu.memory_space<vmem_shared>>
        %dma_wait3A_88 = arith.constant 0 : i32
        %dma_wait3A_89 = tpu.memref_slice %arg14[%add3A_75, %dma_wait3A_88] : memref<10112x64xf32, #tpu.memory_space<vmem_shared>> -> memref<128x64xf32, #tpu.memory_space<vmem_shared>>
        tpu.wait_dma2 semaphore(%run_scoped3A_82 : memref<!tpu.dma_semaphore, #tpu.memory_space<semaphore_mem>>) src(%dma_wait3A_89 : memref<128x64xf32, #tpu.memory_space<vmem_shared>>) dst(%arg9 : memref<128x64xf32, #tpu.memory_space<vmem>>)
        tpu.yield
      }) : () -> ()
      %mul3A_76 = arith.constant 10112 : i32
      %mul3A_77 = arith.muli %arg0, %mul3A_76 : i32
      %mul3A_78 = arith.constant 632 : i32
      %mul3A_79 = arith.muli %arg1, %mul3A_78 : i32
      %add3A_80 = arith.addi %mul3A_77, %mul3A_79 : i32
      %add3A_81 = arith.addi %add3A_80, %add3A_72 : i32
      "tpu.region"() ({
        %run_scoped3A_82 = tpu.sem_alloc : memref<!tpu.dma_semaphore, #tpu.memory_space<semaphore_mem>>
        %dma_start3A = arith.constant 0 : i32
        %dma_start3A_83 = tpu.memref_slice %arg6[%add3A_81, %dma_start3A] : memref<20224x64xf32, #tpu.memory_space<hbm>> -> memref<128x64xf32, #tpu.memory_space<hbm>>
        %dma_start3A_84 = arith.constant 0 : i32
        %dma_start3A_85 = tpu.memref_slice %arg6[%add3A_81, %dma_start3A_84] : memref<20224x64xf32, #tpu.memory_space<hbm>> -> memref<128x64xf32, #tpu.memory_space<hbm>>
        tpu.enqueue_dma source(%arg9 : memref<128x64xf32, #tpu.memory_space<vmem>>) target(%dma_start3A_85 : memref<128x64xf32, #tpu.memory_space<hbm>>) target_semaphore(%run_scoped3A_82 : memref<!tpu.dma_semaphore, #tpu.memory_space<semaphore_mem>>)
        %dma_wait3A_86 = arith.constant 0 : i32
        %dma_wait3A_87 = tpu.memref_slice %arg6[%add3A_81, %dma_wait3A_86] : memref<20224x64xf32, #tpu.memory_space<hbm>> -> memref<128x64xf32, #tpu.memory_space<hbm>>
        %dma_wait3A_88 = arith.constant 0 : i32
        %dma_wait3A_89 = tpu.memref_slice %arg6[%add3A_81, %dma_wait3A_88] : memref<20224x64xf32, #tpu.memory_space<hbm>> -> memref<128x64xf32, #tpu.memory_space<hbm>>
        tpu.wait_dma2 semaphore(%run_scoped3A_82 : memref<!tpu.dma_semaphore, #tpu.memory_space<semaphore_mem>>) src(%arg9 : memref<128x64xf32, #tpu.memory_space<vmem>>) dst(%dma_wait3A_89 : memref<128x64xf32, #tpu.memory_space<hbm>>)
        tpu.yield
      }) : () -> ()
    }
    %scan3A_56 = arith.constant 4 : i32
    %mul3A_57 = arith.constant 632 : i32
    %mul3A_58 = arith.muli %arg1, %mul3A_57 : i32
    %add3A_59 = arith.constant 512 : i32
    %add3A_60 = arith.addi %mul3A_58, %add3A_59 : i32
    "tpu.region"() ({
      %run_scoped3A_68 = tpu.sem_alloc : memref<!tpu.dma_semaphore, #tpu.memory_space<semaphore_mem>>
      %dma_start3A = arith.constant 0 : i32
      %dma_start3A_69 = arith.constant 0 : i32
      %dma_start3A_70 = tpu.memref_slice %arg10[%dma_start3A, %dma_start3A_69] : memref<128x64xf32, #tpu.memory_space<vmem>> -> memref<120x64xf32, #tpu.memory_space<vmem>>
      %dma_start3A_71 = arith.constant 0 : i32
      %dma_start3A_72 = tpu.memref_slice %arg14[%add3A_60, %dma_start3A_71] : memref<10112x64xf32, #tpu.memory_space<vmem_shared>> -> memref<120x64xf32, #tpu.memory_space<vmem_shared>>
      %dma_start3A_73 = arith.constant 0 : i32
      %dma_start3A_74 = arith.constant 0 : i32
      %dma_start3A_75 = tpu.memref_slice %arg10[%dma_start3A_73, %dma_start3A_74] : memref<128x64xf32, #tpu.memory_space<vmem>> -> memref<120x64xf32, #tpu.memory_space<vmem>>
      %dma_start3A_76 = arith.constant 0 : i32
      %dma_start3A_77 = tpu.memref_slice %arg14[%add3A_60, %dma_start3A_76] : memref<10112x64xf32, #tpu.memory_space<vmem_shared>> -> memref<120x64xf32, #tpu.memory_space<vmem_shared>>
      tpu.enqueue_dma source(%dma_start3A_77 : memref<120x64xf32, #tpu.memory_space<vmem_shared>>) target(%dma_start3A_75 : memref<120x64xf32, #tpu.memory_space<vmem>>) target_semaphore(%run_scoped3A_68 : memref<!tpu.dma_semaphore, #tpu.memory_space<semaphore_mem>>)
      %dma_wait3A_78 = arith.constant 0 : i32
      %dma_wait3A_79 = arith.constant 0 : i32
      %dma_wait3A_80 = tpu.memref_slice %arg10[%dma_wait3A_78, %dma_wait3A_79] : memref<128x64xf32, #tpu.memory_space<vmem>> -> memref<120x64xf32, #tpu.memory_space<vmem>>
      %dma_wait3A_81 = arith.constant 0 : i32
      %dma_wait3A_82 = tpu.memref_slice %arg14[%add3A_60, %dma_wait3A_81] : memref<10112x64xf32, #tpu.memory_space<vmem_shared>> -> memref<120x64xf32, #tpu.memory_space<vmem_shared>>
      %dma_wait3A_83 = arith.constant 0 : i32
      %dma_wait3A_84 = arith.constant 0 : i32
      %dma_wait3A_85 = tpu.memref_slice %arg10[%dma_wait3A_83, %dma_wait3A_84] : memref<128x64xf32, #tpu.memory_space<vmem>> -> memref<120x64xf32, #tpu.memory_space<vmem>>
      %dma_wait3A_86 = arith.constant 0 : i32
      %dma_wait3A_87 = tpu.memref_slice %arg14[%add3A_60, %dma_wait3A_86] : memref<10112x64xf32, #tpu.memory_space<vmem_shared>> -> memref<120x64xf32, #tpu.memory_space<vmem_shared>>
      tpu.wait_dma2 semaphore(%run_scoped3A_68 : memref<!tpu.dma_semaphore, #tpu.memory_space<semaphore_mem>>) src(%dma_wait3A_87 : memref<120x64xf32, #tpu.memory_space<vmem_shared>>) dst(%dma_wait3A_85 : memref<120x64xf32, #tpu.memory_space<vmem>>)
      tpu.yield
    }) : () -> ()
    %mul3A_61 = arith.constant 10112 : i32
    %mul3A_62 = arith.muli %arg0, %mul3A_61 : i32
    %mul3A_63 = arith.constant 632 : i32
    %mul3A_64 = arith.muli %arg1, %mul3A_63 : i32
    %add3A_65 = arith.addi %mul3A_62, %mul3A_64 : i32
    %add3A_66 = arith.constant 512 : i32
    %add3A_67 = arith.addi %add3A_65, %add3A_66 : i32
    "tpu.region"() ({
      %run_scoped3A_68 = tpu.sem_alloc : memref<!tpu.dma_semaphore, #tpu.memory_space<semaphore_mem>>
      %dma_start3A = arith.constant 0 : i32
      %dma_start3A_69 = arith.constant 0 : i32
      %dma_start3A_70 = tpu.memref_slice %arg10[%dma_start3A, %dma_start3A_69] : memref<128x64xf32, #tpu.memory_space<vmem>> -> memref<120x64xf32, #tpu.memory_space<vmem>>
      %dma_start3A_71 = arith.constant 0 : i32
      %dma_start3A_72 = tpu.memref_slice %arg6[%add3A_67, %dma_start3A_71] : memref<20224x64xf32, #tpu.memory_space<hbm>> -> memref<120x64xf32, #tpu.memory_space<hbm>>
      %dma_start3A_73 = arith.constant 0 : i32
      %dma_start3A_74 = tpu.memref_slice %arg6[%add3A_67, %dma_start3A_73] : memref<20224x64xf32, #tpu.memory_space<hbm>> -> memref<120x64xf32, #tpu.memory_space<hbm>>
      %dma_start3A_75 = arith.constant 0 : i32
      %dma_start3A_76 = arith.constant 0 : i32
      %dma_start3A_77 = tpu.memref_slice %arg10[%dma_start3A_75, %dma_start3A_76] : memref<128x64xf32, #tpu.memory_space<vmem>> -> memref<120x64xf32, #tpu.memory_space<vmem>>
      tpu.enqueue_dma source(%dma_start3A_77 : memref<120x64xf32, #tpu.memory_space<vmem>>) target(%dma_start3A_74 : memref<120x64xf32, #tpu.memory_space<hbm>>) target_semaphore(%run_scoped3A_68 : memref<!tpu.dma_semaphore, #tpu.memory_space<semaphore_mem>>)
      %dma_wait3A_78 = arith.constant 0 : i32
      %dma_wait3A_79 = arith.constant 0 : i32
      %dma_wait3A_80 = tpu.memref_slice %arg10[%dma_wait3A_78, %dma_wait3A_79] : memref<128x64xf32, #tpu.memory_space<vmem>> -> memref<120x64xf32, #tpu.memory_space<vmem>>
      %dma_wait3A_81 = arith.constant 0 : i32
      %dma_wait3A_82 = tpu.memref_slice %arg6[%add3A_67, %dma_wait3A_81] : memref<20224x64xf32, #tpu.memory_space<hbm>> -> memref<120x64xf32, #tpu.memory_space<hbm>>
      %dma_wait3A_83 = arith.constant 0 : i32
      %dma_wait3A_84 = tpu.memref_slice %arg6[%add3A_67, %dma_wait3A_83] : memref<20224x64xf32, #tpu.memory_space<hbm>> -> memref<120x64xf32, #tpu.memory_space<hbm>>
      %dma_wait3A_85 = arith.constant 0 : i32
      %dma_wait3A_86 = arith.constant 0 : i32
      %dma_wait3A_87 = tpu.memref_slice %arg10[%dma_wait3A_85, %dma_wait3A_86] : memref<128x64xf32, #tpu.memory_space<vmem>> -> memref<120x64xf32, #tpu.memory_space<vmem>>
      tpu.wait_dma2 semaphore(%run_scoped3A_68 : memref<!tpu.dma_semaphore, #tpu.memory_space<semaphore_mem>>) src(%dma_wait3A_87 : memref<120x64xf32, #tpu.memory_space<vmem>>) dst(%dma_wait3A_84 : memref<120x64xf32, #tpu.memory_space<hbm>>)
      tpu.yield
    }) : () -> ()
    return
  }
}

#map = affine_map<(d0, d1) -> (0, 0)>
module attributes {stable_mosaic.version = 14 : i64} {
  func.func @_sc_deg_body(%arg0: i32, %arg1: i32, %arg2: memref<2528x128xi32, #tpu.memory_space<hbm>>, %arg3: memref<128x16xf32, #tpu.memory_space<hbm>>, %arg4: memref<8x16xf32, #tpu.memory_space<hbm>>, %arg5: memref<20224x16xf32, #tpu.memory_space<hbm>>, %arg6: memref<79x128xi32, #tpu.memory_space<vmem>>, %arg7: memref<128x16xf32, #tpu.memory_space<vmem>>, %arg8: memref<8x16xf32, #tpu.memory_space<vmem>>, %arg9: memref<10112x16xf32, #tpu.memory_space<vmem_shared>>, %arg10: memref<!tpu.dma_semaphore, #tpu.memory_space<semaphore_mem>>) attributes {dimension_semantics = [#tpu.dimension_semantics<core_parallel>, #tpu.dimension_semantics<subcore_parallel>], iteration_bounds = array<i64: 2, 16>, scalar_prefetch = 0 : i64, scratch_operands = 5 : i64, tpu.core_type = #tpu.core_type<sc_vector_subcore>, window_params = [{transform_indices = #map}, {transform_indices = #map}, {transform_indices = #map}, {transform_indices = #map}]} {
    %mul3A = arith.constant 16 : i32
    %mul3A_0 = arith.muli %arg0, %mul3A : i32
    %add3A = arith.addi %mul3A_0, %arg1 : i32
    "tpu.region"() ({
      %run_scoped3A = tpu.sem_alloc : memref<!tpu.dma_semaphore, #tpu.memory_space<semaphore_mem>>
      tpu.enqueue_dma source(%arg3 : memref<128x16xf32, #tpu.memory_space<hbm>>) target(%arg7 : memref<128x16xf32, #tpu.memory_space<vmem>>) target_semaphore(%run_scoped3A : memref<!tpu.dma_semaphore, #tpu.memory_space<semaphore_mem>>)
      tpu.wait_dma2 semaphore(%run_scoped3A : memref<!tpu.dma_semaphore, #tpu.memory_space<semaphore_mem>>) src(%arg3 : memref<128x16xf32, #tpu.memory_space<hbm>>) dst(%arg7 : memref<128x16xf32, #tpu.memory_space<vmem>>)
      tpu.yield
    }) : () -> ()
    "tpu.region"() ({
      %run_scoped3A = tpu.sem_alloc : memref<!tpu.dma_semaphore, #tpu.memory_space<semaphore_mem>>
      tpu.enqueue_dma source(%arg4 : memref<8x16xf32, #tpu.memory_space<hbm>>) target(%arg8 : memref<8x16xf32, #tpu.memory_space<vmem>>) target_semaphore(%run_scoped3A : memref<!tpu.dma_semaphore, #tpu.memory_space<semaphore_mem>>)
      tpu.wait_dma2 semaphore(%run_scoped3A : memref<!tpu.dma_semaphore, #tpu.memory_space<semaphore_mem>>) src(%arg4 : memref<8x16xf32, #tpu.memory_space<hbm>>) dst(%arg8 : memref<8x16xf32, #tpu.memory_space<vmem>>)
      tpu.yield
    }) : () -> ()
    %mul3A_1 = arith.constant 79 : i32
    %mul3A_2 = arith.muli %add3A, %mul3A_1 : i32
    "tpu.region"() ({
      %run_scoped3A = tpu.sem_alloc : memref<!tpu.dma_semaphore, #tpu.memory_space<semaphore_mem>>
      %dma_start3A = arith.constant 0 : i32
      %dma_start3A_39 = tpu.memref_slice %arg2[%mul3A_2, %dma_start3A] : memref<2528x128xi32, #tpu.memory_space<hbm>> -> memref<79x128xi32, #tpu.memory_space<hbm>>
      %dma_start3A_40 = arith.constant 0 : i32
      %dma_start3A_41 = tpu.memref_slice %arg2[%mul3A_2, %dma_start3A_40] : memref<2528x128xi32, #tpu.memory_space<hbm>> -> memref<79x128xi32, #tpu.memory_space<hbm>>
      tpu.enqueue_dma source(%dma_start3A_41 : memref<79x128xi32, #tpu.memory_space<hbm>>) target(%arg6 : memref<79x128xi32, #tpu.memory_space<vmem>>) target_semaphore(%run_scoped3A : memref<!tpu.dma_semaphore, #tpu.memory_space<semaphore_mem>>)
      %dma_wait3A = arith.constant 0 : i32
      %dma_wait3A_42 = tpu.memref_slice %arg2[%mul3A_2, %dma_wait3A] : memref<2528x128xi32, #tpu.memory_space<hbm>> -> memref<79x128xi32, #tpu.memory_space<hbm>>
      %dma_wait3A_43 = arith.constant 0 : i32
      %dma_wait3A_44 = tpu.memref_slice %arg2[%mul3A_2, %dma_wait3A_43] : memref<2528x128xi32, #tpu.memory_space<hbm>> -> memref<79x128xi32, #tpu.memory_space<hbm>>
      tpu.wait_dma2 semaphore(%run_scoped3A : memref<!tpu.dma_semaphore, #tpu.memory_space<semaphore_mem>>) src(%dma_wait3A_44 : memref<79x128xi32, #tpu.memory_space<hbm>>) dst(%arg6 : memref<79x128xi32, #tpu.memory_space<vmem>>)
      tpu.yield
    }) : () -> ()
    %scan3A = arith.constant 0 : i32
    %scan3A_3 = arith.constant 79 : i32
    %scan3A_4 = arith.addi %scan3A, %scan3A_3 : i32
    %scan3A_5 = arith.constant 1 : i32
    scf.for %scan3A_39 = %scan3A to %scan3A_4 step %scan3A_5  : i32 {
      %mul3A_40 = arith.constant 8 : i32
      %mul3A_41 = arith.muli %scan3A_39, %mul3A_40 : i32
      %add3A_42 = arith.constant 0 : i32
      %add3A_43 = arith.addi %add3A_42, %mul3A_41 : i32
      %mul3A_44 = arith.constant 632 : i32
      %mul3A_45 = arith.muli %arg1, %mul3A_44 : i32
      %add3A_46 = arith.addi %mul3A_45, %add3A_43 : i32
      %dma_start3A = arith.constant 0 : i32
      %dma_start3A_47 = tpu.memref_slice %arg9[%add3A_46, %dma_start3A] : memref<10112x16xf32, #tpu.memory_space<vmem_shared>> -> memref<8x16xf32, #tpu.memory_space<vmem_shared>>
      %dma_start3A_48 = arith.constant 0 : i32
      %dma_start3A_49 = tpu.memref_slice %arg9[%add3A_46, %dma_start3A_48] : memref<10112x16xf32, #tpu.memory_space<vmem_shared>> -> memref<8x16xf32, #tpu.memory_space<vmem_shared>>
      tpu.enqueue_dma source(%arg8 : memref<8x16xf32, #tpu.memory_space<vmem>>) target(%dma_start3A_49 : memref<8x16xf32, #tpu.memory_space<vmem_shared>>) target_semaphore(%arg10 : memref<!tpu.dma_semaphore, #tpu.memory_space<semaphore_mem>>)
    }
    %scan3A_6 = arith.constant 79 : i32
    %scan3A_7 = arith.constant 0 : i32
    %scan3A_8 = arith.constant 79 : i32
    %scan3A_9 = arith.addi %scan3A_7, %scan3A_8 : i32
    %scan3A_10 = arith.constant 1 : i32
    scf.for %scan3A_39 = %scan3A_7 to %scan3A_9 step %scan3A_10  : i32 {
      %mul3A_40 = arith.constant 8 : i32
      %mul3A_41 = arith.muli %scan3A_39, %mul3A_40 : i32
      %add3A_42 = arith.constant 0 : i32
      %add3A_43 = arith.addi %add3A_42, %mul3A_41 : i32
      %mul3A_44 = arith.constant 632 : i32
      %mul3A_45 = arith.muli %arg1, %mul3A_44 : i32
      %add3A_46 = arith.addi %mul3A_45, %add3A_43 : i32
      %dma_wait3A = arith.constant 0 : i32
      %dma_wait3A_47 = tpu.memref_slice %arg9[%add3A_46, %dma_wait3A] : memref<10112x16xf32, #tpu.memory_space<vmem_shared>> -> memref<8x16xf32, #tpu.memory_space<vmem_shared>>
      %dma_wait3A_48 = arith.constant 0 : i32
      %dma_wait3A_49 = tpu.memref_slice %arg9[%add3A_46, %dma_wait3A_48] : memref<10112x16xf32, #tpu.memory_space<vmem_shared>> -> memref<8x16xf32, #tpu.memory_space<vmem_shared>>
      tpu.wait_dma2 semaphore(%arg10 : memref<!tpu.dma_semaphore, #tpu.memory_space<semaphore_mem>>) src(%arg8 : memref<8x16xf32, #tpu.memory_space<vmem>>) dst(%dma_wait3A_49 : memref<8x16xf32, #tpu.memory_space<vmem_shared>>)
    }
    %scan3A_11 = arith.constant 79 : i32
    %barrier3A = arith.constant 0 : index
    tpu.barrier barrier_id(%barrier3A)
    %scan3A_12 = arith.constant 0 : i32
    %scan3A_13 = arith.constant 79 : i32
    %scan3A_14 = arith.addi %scan3A_12, %scan3A_13 : i32
    %scan3A_15 = arith.constant 1 : i32
    scf.for %scan3A_39 = %scan3A_12 to %scan3A_14 step %scan3A_15  : i32 {
      %mul3A_40 = arith.constant 1 : i32
      %mul3A_41 = arith.muli %scan3A_39, %mul3A_40 : i32
      %add3A_42 = arith.constant 0 : i32
      %add3A_43 = arith.addi %add3A_42, %mul3A_41 : i32
      %dma_start3A = arith.constant 0 : i32
      %dma_start3A_44 = tpu.memref_slice %arg6[%add3A_43, %dma_start3A] : memref<79x128xi32, #tpu.memory_space<vmem>> -> memref<1x128xi32, #tpu.memory_space<vmem>>
      %dma_start3A_45 = tpu.memref_squeeze %dma_start3A_44 : memref<1x128xi32, #tpu.memory_space<vmem>> -> memref<128xi32, #tpu.memory_space<vmem>>
      %dma_start3A_46 = arith.constant 0 : i32
      %dma_start3A_47 = arith.constant 0 : i32
      %dma_start3A_48 = tpu.memref_slice %arg9[%dma_start3A_46, %dma_start3A_47] : memref<10112x16xf32, #tpu.memory_space<vmem_shared>> -> memref<10112x16xf32, #tpu.memory_space<vmem_shared>>
      tpu.enqueue_indirect_dma source(%arg7 : memref<128x16xf32, #tpu.memory_space<vmem>>) target(%dma_start3A_48 : memref<10112x16xf32, #tpu.memory_space<vmem_shared>>) offsets(%dma_start3A_45 : memref<128xi32, #tpu.memory_space<vmem>>) semaphore(%arg10 : memref<!tpu.dma_semaphore, #tpu.memory_space<semaphore_mem>>) {add = true}
    }
    %scan3A_16 = arith.constant 79 : i32
    %scan3A_17 = arith.constant 0 : i32
    %scan3A_18 = arith.constant 79 : i32
    %scan3A_19 = arith.addi %scan3A_17, %scan3A_18 : i32
    %scan3A_20 = arith.constant 1 : i32
    scf.for %scan3A_39 = %scan3A_17 to %scan3A_19 step %scan3A_20  : i32 {
      %mul3A_40 = arith.constant 1 : i32
      %mul3A_41 = arith.muli %scan3A_39, %mul3A_40 : i32
      %add3A_42 = arith.constant 0 : i32
      %add3A_43 = arith.addi %add3A_42, %mul3A_41 : i32
      %dma_wait3A = arith.constant 0 : i32
      %dma_wait3A_44 = tpu.memref_slice %arg6[%add3A_43, %dma_wait3A] : memref<79x128xi32, #tpu.memory_space<vmem>> -> memref<1x128xi32, #tpu.memory_space<vmem>>
      %dma_wait3A_45 = tpu.memref_squeeze %dma_wait3A_44 : memref<1x128xi32, #tpu.memory_space<vmem>> -> memref<128xi32, #tpu.memory_space<vmem>>
      %dma_wait3A_46 = arith.constant 0 : i32
      %dma_wait3A_47 = arith.constant 0 : i32
      %dma_wait3A_48 = tpu.memref_slice %arg9[%dma_wait3A_46, %dma_wait3A_47] : memref<10112x16xf32, #tpu.memory_space<vmem_shared>> -> memref<10112x16xf32, #tpu.memory_space<vmem_shared>>
      tpu.wait_indirect_dma semaphore(%arg10 : memref<!tpu.dma_semaphore, #tpu.memory_space<semaphore_mem>>) src(%arg7 : memref<128x16xf32, #tpu.memory_space<vmem>>) dst(%dma_wait3A_48 : memref<10112x16xf32, #tpu.memory_space<vmem_shared>>)
    }
    %scan3A_21 = arith.constant 79 : i32
    %barrier3A_22 = arith.constant 0 : index
    tpu.barrier barrier_id(%barrier3A_22)
    %scan3A_23 = arith.constant 0 : i32
    %scan3A_24 = arith.constant 4 : i32
    %scan3A_25 = arith.addi %scan3A_23, %scan3A_24 : i32
    %scan3A_26 = arith.constant 1 : i32
    scf.for %scan3A_39 = %scan3A_23 to %scan3A_25 step %scan3A_26  : i32 {
      %mul3A_40 = arith.constant 128 : i32
      %mul3A_41 = arith.muli %scan3A_39, %mul3A_40 : i32
      %add3A_42 = arith.constant 0 : i32
      %add3A_43 = arith.addi %add3A_42, %mul3A_41 : i32
      %mul3A_44 = arith.constant 632 : i32
      %mul3A_45 = arith.muli %arg1, %mul3A_44 : i32
      %add3A_46 = arith.addi %mul3A_45, %add3A_43 : i32
      "tpu.region"() ({
        %run_scoped3A = tpu.sem_alloc : memref<!tpu.dma_semaphore, #tpu.memory_space<semaphore_mem>>
        %dma_start3A = arith.constant 0 : i32
        %dma_start3A_53 = tpu.memref_slice %arg9[%add3A_46, %dma_start3A] : memref<10112x16xf32, #tpu.memory_space<vmem_shared>> -> memref<128x16xf32, #tpu.memory_space<vmem_shared>>
        %dma_start3A_54 = arith.constant 0 : i32
        %dma_start3A_55 = tpu.memref_slice %arg9[%add3A_46, %dma_start3A_54] : memref<10112x16xf32, #tpu.memory_space<vmem_shared>> -> memref<128x16xf32, #tpu.memory_space<vmem_shared>>
        tpu.enqueue_dma source(%dma_start3A_55 : memref<128x16xf32, #tpu.memory_space<vmem_shared>>) target(%arg7 : memref<128x16xf32, #tpu.memory_space<vmem>>) target_semaphore(%run_scoped3A : memref<!tpu.dma_semaphore, #tpu.memory_space<semaphore_mem>>)
        %dma_wait3A = arith.constant 0 : i32
        %dma_wait3A_56 = tpu.memref_slice %arg9[%add3A_46, %dma_wait3A] : memref<10112x16xf32, #tpu.memory_space<vmem_shared>> -> memref<128x16xf32, #tpu.memory_space<vmem_shared>>
        %dma_wait3A_57 = arith.constant 0 : i32
        %dma_wait3A_58 = tpu.memref_slice %arg9[%add3A_46, %dma_wait3A_57] : memref<10112x16xf32, #tpu.memory_space<vmem_shared>> -> memref<128x16xf32, #tpu.memory_space<vmem_shared>>
        tpu.wait_dma2 semaphore(%run_scoped3A : memref<!tpu.dma_semaphore, #tpu.memory_space<semaphore_mem>>) src(%dma_wait3A_58 : memref<128x16xf32, #tpu.memory_space<vmem_shared>>) dst(%arg7 : memref<128x16xf32, #tpu.memory_space<vmem>>)
        tpu.yield
      }) : () -> ()
      %mul3A_47 = arith.constant 10112 : i32
      %mul3A_48 = arith.muli %arg0, %mul3A_47 : i32
      %mul3A_49 = arith.constant 632 : i32
      %mul3A_50 = arith.muli %arg1, %mul3A_49 : i32
      %add3A_51 = arith.addi %mul3A_48, %mul3A_50 : i32
      %add3A_52 = arith.addi %add3A_51, %add3A_43 : i32
      "tpu.region"() ({
        %run_scoped3A = tpu.sem_alloc : memref<!tpu.dma_semaphore, #tpu.memory_space<semaphore_mem>>
        %dma_start3A = arith.constant 0 : i32
        %dma_start3A_53 = tpu.memref_slice %arg5[%add3A_52, %dma_start3A] : memref<20224x16xf32, #tpu.memory_space<hbm>> -> memref<128x16xf32, #tpu.memory_space<hbm>>
        %dma_start3A_54 = arith.constant 0 : i32
        %dma_start3A_55 = tpu.memref_slice %arg5[%add3A_52, %dma_start3A_54] : memref<20224x16xf32, #tpu.memory_space<hbm>> -> memref<128x16xf32, #tpu.memory_space<hbm>>
        tpu.enqueue_dma source(%arg7 : memref<128x16xf32, #tpu.memory_space<vmem>>) target(%dma_start3A_55 : memref<128x16xf32, #tpu.memory_space<hbm>>) target_semaphore(%run_scoped3A : memref<!tpu.dma_semaphore, #tpu.memory_space<semaphore_mem>>)
        %dma_wait3A = arith.constant 0 : i32
        %dma_wait3A_56 = tpu.memref_slice %arg5[%add3A_52, %dma_wait3A] : memref<20224x16xf32, #tpu.memory_space<hbm>> -> memref<128x16xf32, #tpu.memory_space<hbm>>
        %dma_wait3A_57 = arith.constant 0 : i32
        %dma_wait3A_58 = tpu.memref_slice %arg5[%add3A_52, %dma_wait3A_57] : memref<20224x16xf32, #tpu.memory_space<hbm>> -> memref<128x16xf32, #tpu.memory_space<hbm>>
        tpu.wait_dma2 semaphore(%run_scoped3A : memref<!tpu.dma_semaphore, #tpu.memory_space<semaphore_mem>>) src(%arg7 : memref<128x16xf32, #tpu.memory_space<vmem>>) dst(%dma_wait3A_58 : memref<128x16xf32, #tpu.memory_space<hbm>>)
        tpu.yield
      }) : () -> ()
    }
    %scan3A_27 = arith.constant 4 : i32
    %mul3A_28 = arith.constant 632 : i32
    %mul3A_29 = arith.muli %arg1, %mul3A_28 : i32
    %add3A_30 = arith.constant 512 : i32
    %add3A_31 = arith.addi %mul3A_29, %add3A_30 : i32
    "tpu.region"() ({
      %run_scoped3A = tpu.sem_alloc : memref<!tpu.dma_semaphore, #tpu.memory_space<semaphore_mem>>
      %dma_start3A = arith.constant 0 : i32
      %dma_start3A_39 = arith.constant 0 : i32
      %dma_start3A_40 = tpu.memref_slice %arg7[%dma_start3A, %dma_start3A_39] : memref<128x16xf32, #tpu.memory_space<vmem>> -> memref<120x16xf32, #tpu.memory_space<vmem>>
      %dma_start3A_41 = arith.constant 0 : i32
      %dma_start3A_42 = tpu.memref_slice %arg9[%add3A_31, %dma_start3A_41] : memref<10112x16xf32, #tpu.memory_space<vmem_shared>> -> memref<120x16xf32, #tpu.memory_space<vmem_shared>>
      %dma_start3A_43 = arith.constant 0 : i32
      %dma_start3A_44 = arith.constant 0 : i32
      %dma_start3A_45 = tpu.memref_slice %arg7[%dma_start3A_43, %dma_start3A_44] : memref<128x16xf32, #tpu.memory_space<vmem>> -> memref<120x16xf32, #tpu.memory_space<vmem>>
      %dma_start3A_46 = arith.constant 0 : i32
      %dma_start3A_47 = tpu.memref_slice %arg9[%add3A_31, %dma_start3A_46] : memref<10112x16xf32, #tpu.memory_space<vmem_shared>> -> memref<120x16xf32, #tpu.memory_space<vmem_shared>>
      tpu.enqueue_dma source(%dma_start3A_47 : memref<120x16xf32, #tpu.memory_space<vmem_shared>>) target(%dma_start3A_45 : memref<120x16xf32, #tpu.memory_space<vmem>>) target_semaphore(%run_scoped3A : memref<!tpu.dma_semaphore, #tpu.memory_space<semaphore_mem>>)
      %dma_wait3A = arith.constant 0 : i32
      %dma_wait3A_48 = arith.constant 0 : i32
      %dma_wait3A_49 = tpu.memref_slice %arg7[%dma_wait3A, %dma_wait3A_48] : memref<128x16xf32, #tpu.memory_space<vmem>> -> memref<120x16xf32, #tpu.memory_space<vmem>>
      %dma_wait3A_50 = arith.constant 0 : i32
      %dma_wait3A_51 = tpu.memref_slice %arg9[%add3A_31, %dma_wait3A_50] : memref<10112x16xf32, #tpu.memory_space<vmem_shared>> -> memref<120x16xf32, #tpu.memory_space<vmem_shared>>
      %dma_wait3A_52 = arith.constant 0 : i32
      %dma_wait3A_53 = arith.constant 0 : i32
      %dma_wait3A_54 = tpu.memref_slice %arg7[%dma_wait3A_52, %dma_wait3A_53] : memref<128x16xf32, #tpu.memory_space<vmem>> -> memref<120x16xf32, #tpu.memory_space<vmem>>
      %dma_wait3A_55 = arith.constant 0 : i32
      %dma_wait3A_56 = tpu.memref_slice %arg9[%add3A_31, %dma_wait3A_55] : memref<10112x16xf32, #tpu.memory_space<vmem_shared>> -> memref<120x16xf32, #tpu.memory_space<vmem_shared>>
      tpu.wait_dma2 semaphore(%run_scoped3A : memref<!tpu.dma_semaphore, #tpu.memory_space<semaphore_mem>>) src(%dma_wait3A_56 : memref<120x16xf32, #tpu.memory_space<vmem_shared>>) dst(%dma_wait3A_54 : memref<120x16xf32, #tpu.memory_space<vmem>>)
      tpu.yield
    }) : () -> ()
    %mul3A_32 = arith.constant 10112 : i32
    %mul3A_33 = arith.muli %arg0, %mul3A_32 : i32
    %mul3A_34 = arith.constant 632 : i32
    %mul3A_35 = arith.muli %arg1, %mul3A_34 : i32
    %add3A_36 = arith.addi %mul3A_33, %mul3A_35 : i32
    %add3A_37 = arith.constant 512 : i32
    %add3A_38 = arith.addi %add3A_36, %add3A_37 : i32
    "tpu.region"() ({
      %run_scoped3A = tpu.sem_alloc : memref<!tpu.dma_semaphore, #tpu.memory_space<semaphore_mem>>
      %dma_start3A = arith.constant 0 : i32
      %dma_start3A_39 = arith.constant 0 : i32
      %dma_start3A_40 = tpu.memref_slice %arg7[%dma_start3A, %dma_start3A_39] : memref<128x16xf32, #tpu.memory_space<vmem>> -> memref<120x16xf32, #tpu.memory_space<vmem>>
      %dma_start3A_41 = arith.constant 0 : i32
      %dma_start3A_42 = tpu.memref_slice %arg5[%add3A_38, %dma_start3A_41] : memref<20224x16xf32, #tpu.memory_space<hbm>> -> memref<120x16xf32, #tpu.memory_space<hbm>>
      %dma_start3A_43 = arith.constant 0 : i32
      %dma_start3A_44 = tpu.memref_slice %arg5[%add3A_38, %dma_start3A_43] : memref<20224x16xf32, #tpu.memory_space<hbm>> -> memref<120x16xf32, #tpu.memory_space<hbm>>
      %dma_start3A_45 = arith.constant 0 : i32
      %dma_start3A_46 = arith.constant 0 : i32
      %dma_start3A_47 = tpu.memref_slice %arg7[%dma_start3A_45, %dma_start3A_46] : memref<128x16xf32, #tpu.memory_space<vmem>> -> memref<120x16xf32, #tpu.memory_space<vmem>>
      tpu.enqueue_dma source(%dma_start3A_47 : memref<120x16xf32, #tpu.memory_space<vmem>>) target(%dma_start3A_44 : memref<120x16xf32, #tpu.memory_space<hbm>>) target_semaphore(%run_scoped3A : memref<!tpu.dma_semaphore, #tpu.memory_space<semaphore_mem>>)
      %dma_wait3A = arith.constant 0 : i32
      %dma_wait3A_48 = arith.constant 0 : i32
      %dma_wait3A_49 = tpu.memref_slice %arg7[%dma_wait3A, %dma_wait3A_48] : memref<128x16xf32, #tpu.memory_space<vmem>> -> memref<120x16xf32, #tpu.memory_space<vmem>>
      %dma_wait3A_50 = arith.constant 0 : i32
      %dma_wait3A_51 = tpu.memref_slice %arg5[%add3A_38, %dma_wait3A_50] : memref<20224x16xf32, #tpu.memory_space<hbm>> -> memref<120x16xf32, #tpu.memory_space<hbm>>
      %dma_wait3A_52 = arith.constant 0 : i32
      %dma_wait3A_53 = tpu.memref_slice %arg5[%add3A_38, %dma_wait3A_52] : memref<20224x16xf32, #tpu.memory_space<hbm>> -> memref<120x16xf32, #tpu.memory_space<hbm>>
      %dma_wait3A_54 = arith.constant 0 : i32
      %dma_wait3A_55 = arith.constant 0 : i32
      %dma_wait3A_56 = tpu.memref_slice %arg7[%dma_wait3A_54, %dma_wait3A_55] : memref<128x16xf32, #tpu.memory_space<vmem>> -> memref<120x16xf32, #tpu.memory_space<vmem>>
      tpu.wait_dma2 semaphore(%run_scoped3A : memref<!tpu.dma_semaphore, #tpu.memory_space<semaphore_mem>>) src(%dma_wait3A_56 : memref<120x16xf32, #tpu.memory_space<vmem>>) dst(%dma_wait3A_53 : memref<120x16xf32, #tpu.memory_space<hbm>>)
      tpu.yield
    }) : () -> ()
    return
  }
}

module attributes {stable_mosaic.version = 14 : i64} {
  func.func @_k1_body(%arg0: i32, %arg1: memref<2000x128xf32, #tpu.memory_space<vmem>>, %arg2: memref<128x64xf32, #tpu.memory_space<vmem>>, %arg3: memref<2000x64xf32, #tpu.memory_space<vmem>>) attributes {dimension_semantics = [#tpu.dimension_semantics<arbitrary>], iteration_bounds = array<i64: 5>, scalar_prefetch = 0 : i64, scratch_operands = 0 : i64, tpu.core_type = #tpu.core_type<tc>, window_params = [{transform_indices = @transform_0, window_bounds = array<i64: 2000, 128>}, {pipeline_mode = #tpu.pipeline_mode<synchronous>, transform_indices = @transform_1, window_bounds = array<i64: 128, 64>}, {transform_indices = @transform_2, window_bounds = array<i64: 2000, 64>}]} {
    %get3A = arith.constant 0 : index
    %get3A_0 = arith.constant 0 : index
    %get3A_1 = vector.load %arg1[%get3A, %get3A_0] : memref<2000x128xf32, #tpu.memory_space<vmem>>, vector<2000x128xf32>
    %get3A_2 = arith.constant 0 : index
    %get3A_3 = arith.constant 0 : index
    %get3A_4 = vector.load %arg2[%get3A_2, %get3A_3] : memref<128x64xf32, #tpu.memory_space<vmem>>, vector<128x64xf32>
    %dot_general3A = arith.constant dense<0.000000e+00> : vector<2000x64xf32>
    %dot_general3A_5 = tpu.matmul %get3A_1, %get3A_4, %dot_general3A {dimension_numbers = #tpu.dot_dimension_numbers<[1], [0], [0], [1], [0, 0, 1, 1], [], []>, transpose_lhs_hint = false} : vector<2000x128xf32>, vector<128x64xf32>, vector<2000x64xf32> -> vector<2000x64xf32>
    %swap3A = arith.constant 0 : index
    %swap3A_6 = arith.constant 0 : index
    %swap3A_7 = vector.load %arg3[%swap3A, %swap3A_6] : memref<2000x64xf32, #tpu.memory_space<vmem>>, vector<2000x64xf32>
    tpu.vector_store %arg3[%swap3A, %swap3A_6], %dot_general3A_5 {strides = array<i32>} : memref<2000x64xf32, #tpu.memory_space<vmem>>, vector<2000x64xf32>,
    return
  }
  func.func @transform_0(%arg0: i32) -> (i32, i32) {
    %c0_i32 = arith.constant 0 : i32
    %c0_i32_0 = arith.constant 0 : i32
    return %arg0, %c0_i32 : i32, i32
  }
  func.func @transform_1(%arg0: i32) -> (i32, i32) {
    %c0_i32 = arith.constant 0 : i32
    %c0_i32_0 = arith.constant 0 : i32
    %c0_i32_1 = arith.constant 0 : i32
    return %c0_i32, %c0_i32_0 : i32, i32
  }
  func.func @transform_2(%arg0: i32) -> (i32, i32) {
    %c0_i32 = arith.constant 0 : i32
    %c0_i32_0 = arith.constant 0 : i32
    return %arg0, %c0_i32 : i32, i32
  }
}

module attributes {stable_mosaic.version = 14 : i64} {
  func.func @_k1b_body(%arg0: memref<2x10112x16xf32, #tpu.memory_space<vmem>>, %arg1: memref<10000x64xf32, #tpu.memory_space<vmem>>, %arg2: memref<10112x64xf32, #tpu.memory_space<vmem>>, %arg3: memref<10112x1xf32, #tpu.memory_space<vmem>>) attributes {dimension_semantics = [], scalar_prefetch = 0 : i64, scratch_operands = 0 : i64, tpu.core_type = #tpu.core_type<tc>} {
    %get3A = arith.constant 0 : index
    %get3A_0 = arith.constant 0 : index
    %get3A_1 = arith.constant 0 : index
    %get3A_2 = vector.load %arg0[%get3A, %get3A_0, %get3A_1] : memref<2x10112x16xf32, #tpu.memory_space<vmem>>, vector<1x10112x1xf32>
    %get3A_3 = vector.shape_cast %get3A_2 : vector<1x10112x1xf32> to vector<10112x1xf32>
    %get3A_4 = arith.constant 1 : index
    %get3A_5 = arith.constant 0 : index
    %get3A_6 = arith.constant 0 : index
    %get3A_7 = vector.load %arg0[%get3A_4, %get3A_5, %get3A_6] : memref<2x10112x16xf32, #tpu.memory_space<vmem>>, vector<1x10112x1xf32>
    %get3A_8 = vector.shape_cast %get3A_7 : vector<1x10112x1xf32> to vector<10112x1xf32>
    %add3A = arith.addf %get3A_3, %get3A_8 : vector<10112x1xf32>
    %gt3A = arith.constant 0.000000e+00 : f32
    %gt3A_9 = vector.broadcast %gt3A : f32 to vector<10112x1xf32>
    %gt3A_10 = arith.cmpf ogt, %add3A, %gt3A_9 : vector<10112x1xf32>
    %max3A = arith.constant 9.99999996E-13 : f32
    %max3A_11 = vector.broadcast %max3A : f32 to vector<10112x1xf32>
    %max3A_12 = arith.maximumf %add3A, %max3A_11 : vector<10112x1xf32>
    %rsqrt3A = math.rsqrt %max3A_12 : vector<10112x1xf32>
    %jit3A = arith.constant 0.000000e+00 : f32
    %broadcast_in_dim3A = vector.broadcast %jit3A : f32 to vector<10112x1xf32>
    %select_n3A = arith.select %gt3A_10, %rsqrt3A, %broadcast_in_dim3A : vector<10112x1xi1>, vector<10112x1xf32>
    %swap3A = arith.constant 0 : index
    %swap3A_13 = arith.constant 0 : index
    %swap3A_14 = vector.load %arg3[%swap3A, %swap3A_13] : memref<10112x1xf32, #tpu.memory_space<vmem>>, vector<10112x1xf32>
    tpu.vector_store %arg3[%swap3A, %swap3A_13], %select_n3A {strides = array<i32>} : memref<10112x1xf32, #tpu.memory_space<vmem>>, vector<10112x1xf32>,
    %slice3A = vector.extract_strided_slice %select_n3A {offsets = [0, 0], sizes = [10000, 1], strides = [1, 1]} : vector<10112x1xf32> to vector<10000x1xf32>
    %get3A_15 = arith.constant 0 : index
    %get3A_16 = arith.constant 0 : index
    %get3A_17 = vector.load %arg1[%get3A_15, %get3A_16] : memref<10000x64xf32, #tpu.memory_space<vmem>>, vector<10000x64xf32>
    %mul3A = vector.broadcast %slice3A : vector<10000x1xf32> to vector<10000x64xf32>
    %mul3A_18 = arith.mulf %mul3A, %get3A_17 : vector<10000x64xf32>
    %swap3A_19 = arith.constant 0 : index
    %swap3A_20 = arith.constant 0 : index
    %swap3A_21 = vector.load %arg2[%swap3A_19, %swap3A_20] : memref<10112x64xf32, #tpu.memory_space<vmem>>, vector<10000x64xf32>
    tpu.vector_store %arg2[%swap3A_19, %swap3A_20], %mul3A_18 {strides = array<i32>} : memref<10112x64xf32, #tpu.memory_space<vmem>>, vector<10000x64xf32>,
    %broadcast_in_dim3A_22 = arith.constant 0.000000e+00 : f32
    %broadcast_in_dim3A_23 = vector.broadcast %broadcast_in_dim3A_22 : f32 to vector<112x64xf32>
    %swap3A_24 = arith.constant 10000 : index
    %swap3A_25 = arith.constant 0 : index
    %swap3A_26 = vector.load %arg2[%swap3A_24, %swap3A_25] : memref<10112x64xf32, #tpu.memory_space<vmem>>, vector<112x64xf32>
    tpu.vector_store %arg2[%swap3A_24, %swap3A_25], %broadcast_in_dim3A_23 {strides = array<i32>} : memref<10112x64xf32, #tpu.memory_space<vmem>>, vector<112x64xf32>,
    return
  }
}

module attributes {stable_mosaic.version = 14 : i64} {
  func.func @_k2a_body(%arg0: i32, %arg1: memref<2x400x64xf32, #tpu.memory_space<vmem>>, %arg2: memref<400x1xf32, #tpu.memory_space<vmem>>, %arg3: memref<1x64xf32, #tpu.memory_space<vmem>>, %arg4: memref<8x50x50xf32, #tpu.memory_space<vmem>>) attributes {dimension_semantics = [#tpu.dimension_semantics<arbitrary>], iteration_bounds = array<i64: 25>, scalar_prefetch = 0 : i64, scratch_operands = 0 : i64, tpu.core_type = #tpu.core_type<tc>, window_params = [{transform_indices = @transform_0, window_bounds = array<i64: 2, 400, 64>}, {transform_indices = @transform_1, window_bounds = array<i64: 400, 1>}, {pipeline_mode = #tpu.pipeline_mode<synchronous>, transform_indices = @transform_2, window_bounds = array<i64: 1, 64>}, {transform_indices = @transform_3, window_bounds = array<i64: 8, 50, 50>}]} {
    %get3A = arith.constant 0 : index
    %get3A_0 = arith.constant 0 : index
    %get3A_1 = arith.constant 0 : index
    %get3A_2 = vector.load %arg1[%get3A, %get3A_0, %get3A_1] : memref<2x400x64xf32, #tpu.memory_space<vmem>>, vector<1x400x64xf32>
    %get3A_3 = vector.shape_cast %get3A_2 : vector<1x400x64xf32> to vector<400x64xf32>
    %get3A_4 = arith.constant 1 : index
    %get3A_5 = arith.constant 0 : index
    %get3A_6 = arith.constant 0 : index
    %get3A_7 = vector.load %arg1[%get3A_4, %get3A_5, %get3A_6] : memref<2x400x64xf32, #tpu.memory_space<vmem>>, vector<1x400x64xf32>
    %get3A_8 = vector.shape_cast %get3A_7 : vector<1x400x64xf32> to vector<400x64xf32>
    %add3A = arith.addf %get3A_3, %get3A_8 : vector<400x64xf32>
    %get3A_9 = arith.constant 0 : index
    %get3A_10 = arith.constant 0 : index
    %get3A_11 = vector.load %arg2[%get3A_9, %get3A_10] : memref<400x1xf32, #tpu.memory_space<vmem>>, vector<400x1xf32>
    %mul3A = vector.broadcast %get3A_11 : vector<400x1xf32> to vector<400x64xf32>
    %mul3A_12 = arith.mulf %mul3A, %add3A : vector<400x64xf32>
    %get3A_13 = arith.constant 0 : index
    %get3A_14 = arith.constant 0 : index
    %get3A_15 = vector.load %arg3[%get3A_13, %get3A_14] : memref<1x64xf32, #tpu.memory_space<vmem>>, vector<1x64xf32>
    %add3A_16 = vector.broadcast %get3A_15 : vector<1x64xf32> to vector<400x64xf32>
    %add3A_17 = arith.addf %mul3A_12, %add3A_16 : vector<400x64xf32>
    %max3A = arith.constant 0.000000e+00 : f32
    %max3A_18 = vector.broadcast %max3A : f32 to vector<400x64xf32>
    %max3A_19 = arith.maximumf %add3A_17, %max3A_18 : vector<400x64xf32>
    %dot_general3A = arith.constant dense<0.000000e+00> : vector<400x400xf32>
    %dot_general3A_20 = tpu.matmul %max3A_19, %max3A_19, %dot_general3A {dimension_numbers = #tpu.dot_dimension_numbers<[1], [1], [0], [0], [0, 0, 1, 0], [], []>, transpose_lhs_hint = false} : vector<400x64xf32>, vector<400x64xf32>, vector<400x400xf32> -> vector<400x400xf32>
    %slice3A = vector.extract_strided_slice %dot_general3A_20 {offsets = [0, 0], sizes = [50, 50], strides = [1, 1]} : vector<400x400xf32> to vector<50x50xf32>
    %swap3A = arith.constant 0 : index
    %swap3A_21 = arith.constant 0 : index
    %swap3A_22 = arith.constant 0 : index
    %swap3A_23 = vector.load %arg4[%swap3A, %swap3A_21, %swap3A_22] : memref<8x50x50xf32, #tpu.memory_space<vmem>>, vector<1x50x50xf32>
    %swap3A_24 = vector.shape_cast %swap3A_23 : vector<1x50x50xf32> to vector<50x50xf32>
    %swap3A_25 = vector.shape_cast %slice3A : vector<50x50xf32> to vector<1x50x50xf32>
    tpu.vector_store %arg4[%swap3A, %swap3A_21, %swap3A_22], %swap3A_25 {strides = array<i32>} : memref<8x50x50xf32, #tpu.memory_space<vmem>>, vector<1x50x50xf32>,
    %slice3A_26 = vector.extract_strided_slice %dot_general3A_20 {offsets = [50, 50], sizes = [50, 50], strides = [1, 1]} : vector<400x400xf32> to vector<50x50xf32>
    %swap3A_27 = arith.constant 1 : index
    %swap3A_28 = arith.constant 0 : index
    %swap3A_29 = arith.constant 0 : index
    %swap3A_30 = vector.load %arg4[%swap3A_27, %swap3A_28, %swap3A_29] : memref<8x50x50xf32, #tpu.memory_space<vmem>>, vector<1x50x50xf32>
    %swap3A_31 = vector.shape_cast %swap3A_30 : vector<1x50x50xf32> to vector<50x50xf32>
    %swap3A_32 = vector.shape_cast %slice3A_26 : vector<50x50xf32> to vector<1x50x50xf32>
    tpu.vector_store %arg4[%swap3A_27, %swap3A_28, %swap3A_29], %swap3A_32 {strides = array<i32>} : memref<8x50x50xf32, #tpu.memory_space<vmem>>, vector<1x50x50xf32>,
    %slice3A_33 = vector.extract_strided_slice %dot_general3A_20 {offsets = [100, 100], sizes = [50, 50], strides = [1, 1]} : vector<400x400xf32> to vector<50x50xf32>
    %swap3A_34 = arith.constant 2 : index
    %swap3A_35 = arith.constant 0 : index
    %swap3A_36 = arith.constant 0 : index
    %swap3A_37 = vector.load %arg4[%swap3A_34, %swap3A_35, %swap3A_36] : memref<8x50x50xf32, #tpu.memory_space<vmem>>, vector<1x50x50xf32>
    %swap3A_38 = vector.shape_cast %swap3A_37 : vector<1x50x50xf32> to vector<50x50xf32>
    %swap3A_39 = vector.shape_cast %slice3A_33 : vector<50x50xf32> to vector<1x50x50xf32>
    tpu.vector_store %arg4[%swap3A_34, %swap3A_35, %swap3A_36], %swap3A_39 {strides = array<i32>} : memref<8x50x50xf32, #tpu.memory_space<vmem>>, vector<1x50x50xf32>,
    %slice3A_40 = vector.extract_strided_slice %dot_general3A_20 {offsets = [150, 150], sizes = [50, 50], strides = [1, 1]} : vector<400x400xf32> to vector<50x50xf32>
    %swap3A_41 = arith.constant 3 : index
    %swap3A_42 = arith.constant 0 : index
    %swap3A_43 = arith.constant 0 : index
    %swap3A_44 = vector.load %arg4[%swap3A_41, %swap3A_42, %swap3A_43] : memref<8x50x50xf32, #tpu.memory_space<vmem>>, vector<1x50x50xf32>
    %swap3A_45 = vector.shape_cast %swap3A_44 : vector<1x50x50xf32> to vector<50x50xf32>
    %swap3A_46 = vector.shape_cast %slice3A_40 : vector<50x50xf32> to vector<1x50x50xf32>
    tpu.vector_store %arg4[%swap3A_41, %swap3A_42, %swap3A_43], %swap3A_46 {strides = array<i32>} : memref<8x50x50xf32, #tpu.memory_space<vmem>>, vector<1x50x50xf32>,
    %slice3A_47 = vector.extract_strided_slice %dot_general3A_20 {offsets = [200, 200], sizes = [50, 50], strides = [1, 1]} : vector<400x400xf32> to vector<50x50xf32>
    %swap3A_48 = arith.constant 4 : index
    %swap3A_49 = arith.constant 0 : index
    %swap3A_50 = arith.constant 0 : index
    %swap3A_51 = vector.load %arg4[%swap3A_48, %swap3A_49, %swap3A_50] : memref<8x50x50xf32, #tpu.memory_space<vmem>>, vector<1x50x50xf32>
    %swap3A_52 = vector.shape_cast %swap3A_51 : vector<1x50x50xf32> to vector<50x50xf32>
    %swap3A_53 = vector.shape_cast %slice3A_47 : vector<50x50xf32> to vector<1x50x50xf32>
    tpu.vector_store %arg4[%swap3A_48, %swap3A_49, %swap3A_50], %swap3A_53 {strides = array<i32>} : memref<8x50x50xf32, #tpu.memory_space<vmem>>, vector<1x50x50xf32>,
    %slice3A_54 = vector.extract_strided_slice %dot_general3A_20 {offsets = [250, 250], sizes = [50, 50], strides = [1, 1]} : vector<400x400xf32> to vector<50x50xf32>
    %swap3A_55 = arith.constant 5 : index
    %swap3A_56 = arith.constant 0 : index
    %swap3A_57 = arith.constant 0 : index
    %swap3A_58 = vector.load %arg4[%swap3A_55, %swap3A_56, %swap3A_57] : memref<8x50x50xf32, #tpu.memory_space<vmem>>, vector<1x50x50xf32>
    %swap3A_59 = vector.shape_cast %swap3A_58 : vector<1x50x50xf32> to vector<50x50xf32>
    %swap3A_60 = vector.shape_cast %slice3A_54 : vector<50x50xf32> to vector<1x50x50xf32>
    tpu.vector_store %arg4[%swap3A_55, %swap3A_56, %swap3A_57], %swap3A_60 {strides = array<i32>} : memref<8x50x50xf32, #tpu.memory_space<vmem>>, vector<1x50x50xf32>,
    %slice3A_61 = vector.extract_strided_slice %dot_general3A_20 {offsets = [300, 300], sizes = [50, 50], strides = [1, 1]} : vector<400x400xf32> to vector<50x50xf32>
    %swap3A_62 = arith.constant 6 : index
    %swap3A_63 = arith.constant 0 : index
    %swap3A_64 = arith.constant 0 : index
    %swap3A_65 = vector.load %arg4[%swap3A_62, %swap3A_63, %swap3A_64] : memref<8x50x50xf32, #tpu.memory_space<vmem>>, vector<1x50x50xf32>
    %swap3A_66 = vector.shape_cast %swap3A_65 : vector<1x50x50xf32> to vector<50x50xf32>
    %swap3A_67 = vector.shape_cast %slice3A_61 : vector<50x50xf32> to vector<1x50x50xf32>
    tpu.vector_store %arg4[%swap3A_62, %swap3A_63, %swap3A_64], %swap3A_67 {strides = array<i32>} : memref<8x50x50xf32, #tpu.memory_space<vmem>>, vector<1x50x50xf32>,
    %slice3A_68 = vector.extract_strided_slice %dot_general3A_20 {offsets = [350, 350], sizes = [50, 50], strides = [1, 1]} : vector<400x400xf32> to vector<50x50xf32>
    %swap3A_69 = arith.constant 7 : index
    %swap3A_70 = arith.constant 0 : index
    %swap3A_71 = arith.constant 0 : index
    %swap3A_72 = vector.load %arg4[%swap3A_69, %swap3A_70, %swap3A_71] : memref<8x50x50xf32, #tpu.memory_space<vmem>>, vector<1x50x50xf32>
    %swap3A_73 = vector.shape_cast %swap3A_72 : vector<1x50x50xf32> to vector<50x50xf32>
    %swap3A_74 = vector.shape_cast %slice3A_68 : vector<50x50xf32> to vector<1x50x50xf32>
    tpu.vector_store %arg4[%swap3A_69, %swap3A_70, %swap3A_71], %swap3A_74 {strides = array<i32>} : memref<8x50x50xf32, #tpu.memory_space<vmem>>, vector<1x50x50xf32>,
    return
  }
  func.func @transform_0(%arg0: i32) -> (i32, i32, i32) {
    %c0_i32 = arith.constant 0 : i32
    %c0_i32_0 = arith.constant 0 : i32
    %c0_i32_1 = arith.constant 0 : i32
    return %c0_i32, %arg0, %c0_i32_0 : i32, i32, i32
  }
  func.func @transform_1(%arg0: i32) -> (i32, i32) {
    %c0_i32 = arith.constant 0 : i32
    %c0_i32_0 = arith.constant 0 : i32
    return %arg0, %c0_i32 : i32, i32
  }
  func.func @transform_2(%arg0: i32) -> (i32, i32) {
    %c0_i32 = arith.constant 0 : i32
    %c0_i32_0 = arith.constant 0 : i32
    %c0_i32_1 = arith.constant 0 : i32
    return %c0_i32, %c0_i32_0 : i32, i32
  }
  func.func @transform_3(%arg0: i32) -> (i32, i32, i32) {
    %c0_i32 = arith.constant 0 : i32
    %c0_i32_0 = arith.constant 0 : i32
    %c0_i32_1 = arith.constant 0 : i32
    return %arg0, %c0_i32, %c0_i32_0 : i32, i32, i32
  }
}

module attributes {stable_mosaic.version = 14 : i64} {
  func.func @body(%arg0: memref<200x2500xbf16, #tpu.memory_space<vmem>>, %arg1: memref<2500x5000xbf16, #tpu.memory_space<any>>, %arg2: memref<1x5000xf32, #tpu.memory_space<vmem>>, %arg3: memref<200x5000xf32, #tpu.memory_space<vmem>>, %arg4: memref<2500x5000xbf16, #tpu.memory_space<vmem>>, %arg5: memref<!tpu.dma_semaphore, #tpu.memory_space<semaphore_mem>>) attributes {dimension_semantics = [], scalar_prefetch = 0 : i64, scratch_operands = 2 : i64, tpu.core_type = #tpu.core_type<tc>} {
    tpu.enqueue_dma source(%arg1 : memref<2500x5000xbf16, #tpu.memory_space<any>>) target(%arg4 : memref<2500x5000xbf16, #tpu.memory_space<vmem>>) target_semaphore(%arg5 : memref<!tpu.dma_semaphore, #tpu.memory_space<semaphore_mem>>)
    tpu.wait_dma2 semaphore(%arg5 : memref<!tpu.dma_semaphore, #tpu.memory_space<semaphore_mem>>) src(%arg1 : memref<2500x5000xbf16, #tpu.memory_space<any>>) dst(%arg4 : memref<2500x5000xbf16, #tpu.memory_space<vmem>>)
    %get3A = arith.constant 0 : index
    %get3A_0 = arith.constant 0 : index
    %get3A_1 = vector.load %arg0[%get3A, %get3A_0] : memref<200x2500xbf16, #tpu.memory_space<vmem>>, vector<200x2500xbf16>
    %get3A_2 = arith.constant 0 : index
    %get3A_3 = arith.constant 0 : index
    %get3A_4 = vector.load %arg4[%get3A_2, %get3A_3] : memref<2500x5000xbf16, #tpu.memory_space<vmem>>, vector<2500x5000xbf16>
    %dot_general3A = arith.constant dense<0.000000e+00> : vector<200x5000xf32>
    %dot_general3A_5 = tpu.matmul %get3A_1, %get3A_4, %dot_general3A {dimension_numbers = #tpu.dot_dimension_numbers<[1], [0], [0], [1], [0, 0, 1, 1], [], []>, transpose_lhs_hint = false} : vector<200x2500xbf16>, vector<2500x5000xbf16>, vector<200x5000xf32> -> vector<200x5000xf32>
    %get3A_6 = arith.constant 0 : index
    %get3A_7 = arith.constant 0 : index
    %get3A_8 = vector.load %arg2[%get3A_6, %get3A_7] : memref<1x5000xf32, #tpu.memory_space<vmem>>, vector<1x5000xf32>
    %add3A = vector.broadcast %get3A_8 : vector<1x5000xf32> to vector<200x5000xf32>
    %add3A_9 = arith.addf %dot_general3A_5, %add3A : vector<200x5000xf32>
    %max3A = arith.constant 0.000000e+00 : f32
    %max3A_10 = vector.broadcast %max3A : f32 to vector<200x5000xf32>
    %max3A_11 = arith.maximumf %add3A_9, %max3A_10 : vector<200x5000xf32>
    %swap3A = arith.constant 0 : index
    %swap3A_12 = arith.constant 0 : index
    %swap3A_13 = vector.load %arg3[%swap3A, %swap3A_12] : memref<200x5000xf32, #tpu.memory_space<vmem>>, vector<200x5000xf32>
    tpu.vector_store %arg3[%swap3A, %swap3A_12], %max3A_11 {strides = array<i32>} : memref<200x5000xf32, #tpu.memory_space<vmem>>, vector<200x5000xf32>,
    return
  }
}

module attributes {stable_mosaic.version = 14 : i64} {
  func.func @body(%arg0: memref<200x5000xbf16, #tpu.memory_space<vmem>>, %arg1: memref<5000x2500xbf16, #tpu.memory_space<any>>, %arg2: memref<1x2500xf32, #tpu.memory_space<vmem>>, %arg3: memref<200x2500xf32, #tpu.memory_space<vmem>>, %arg4: memref<5000x2500xbf16, #tpu.memory_space<vmem>>, %arg5: memref<!tpu.dma_semaphore, #tpu.memory_space<semaphore_mem>>) attributes {dimension_semantics = [], scalar_prefetch = 0 : i64, scratch_operands = 2 : i64, tpu.core_type = #tpu.core_type<tc>} {
    tpu.enqueue_dma source(%arg1 : memref<5000x2500xbf16, #tpu.memory_space<any>>) target(%arg4 : memref<5000x2500xbf16, #tpu.memory_space<vmem>>) target_semaphore(%arg5 : memref<!tpu.dma_semaphore, #tpu.memory_space<semaphore_mem>>)
    tpu.wait_dma2 semaphore(%arg5 : memref<!tpu.dma_semaphore, #tpu.memory_space<semaphore_mem>>) src(%arg1 : memref<5000x2500xbf16, #tpu.memory_space<any>>) dst(%arg4 : memref<5000x2500xbf16, #tpu.memory_space<vmem>>)
    %get3A = arith.constant 0 : index
    %get3A_0 = arith.constant 0 : index
    %get3A_1 = vector.load %arg0[%get3A, %get3A_0] : memref<200x5000xbf16, #tpu.memory_space<vmem>>, vector<200x5000xbf16>
    %get3A_2 = arith.constant 0 : index
    %get3A_3 = arith.constant 0 : index
    %get3A_4 = vector.load %arg4[%get3A_2, %get3A_3] : memref<5000x2500xbf16, #tpu.memory_space<vmem>>, vector<5000x2500xbf16>
    %dot_general3A = arith.constant dense<0.000000e+00> : vector<200x2500xf32>
    %dot_general3A_5 = tpu.matmul %get3A_1, %get3A_4, %dot_general3A {dimension_numbers = #tpu.dot_dimension_numbers<[1], [0], [0], [1], [0, 0, 1, 1], [], []>, transpose_lhs_hint = false} : vector<200x5000xbf16>, vector<5000x2500xbf16>, vector<200x2500xf32> -> vector<200x2500xf32>
    %get3A_6 = arith.constant 0 : index
    %get3A_7 = arith.constant 0 : index
    %get3A_8 = vector.load %arg2[%get3A_6, %get3A_7] : memref<1x2500xf32, #tpu.memory_space<vmem>>, vector<1x2500xf32>
    %add3A = vector.broadcast %get3A_8 : vector<1x2500xf32> to vector<200x2500xf32>
    %add3A_9 = arith.addf %dot_general3A_5, %add3A : vector<200x2500xf32>
    %logistic3A = arith.negf %add3A_9 : vector<200x2500xf32>
    %logistic3A_10 = math.exp %logistic3A : vector<200x2500xf32>
    %logistic3A_11 = arith.constant 1.000000e+00 : f32
    %logistic3A_12 = vector.broadcast %logistic3A_11 : f32 to vector<200x2500xf32>
    %logistic3A_13 = arith.addf %logistic3A_12, %logistic3A_10 : vector<200x2500xf32>
    %logistic3A_14 = arith.divf %logistic3A_12, %logistic3A_13 : vector<200x2500xf32>
    %swap3A = arith.constant 0 : index
    %swap3A_15 = arith.constant 0 : index
    %swap3A_16 = vector.load %arg3[%swap3A, %swap3A_15] : memref<200x2500xf32, #tpu.memory_space<vmem>>, vector<200x2500xf32>
    tpu.vector_store %arg3[%swap3A, %swap3A_15], %logistic3A_14 {strides = array<i32>} : memref<200x2500xf32, #tpu.memory_space<vmem>>, vector<200x2500xf32>,
    return
  }
}

</mosaic_0001>

<sc_bundles>
// kernel: kernel.12.cloned.1.call-start
scs
__scs_entry_jumppad:
0x0: {  	(pc) =	sbr.rel $0x88, $3  }
0x1: {  	(tag) =	ssettag $0x0;
	lr =	simm.s32 $0x1  }
0x2: {  	[smem:$0x3F99] =	sst lr;
	_ =	strace $0xD0000000  }
0x3: {  	_ = 	snop  }
0x4: {  	_ = 	snop  }
0x5: {  	_ = 	snop  }
0x6: {  	_ = 	snop  }
0x7: {  	_ = 	snop  }
__scs_overlays_trampoline_lowered:
0x8: {  	[smem:$0x3FA8] =	sst s0  }
0x9: {  	[smem:$0x3FA9] =	sst s1  }
0xa: {  	[smem:$0x3FAA] =	sst s2  }
0xb: {  	[smem:$0x3FAB] =	sst s3  }
0xc: {  	[smem:$0x3FAC] =	sst s4  }
0xd: {  	[smem:$0x3FAD] =	sst s5  }
0xe: {  	[smem:$0x3FAE] =	sst s6  }
0xf: {  	[smem:$0x3FAF] =	sst s7  }
0x10: {  	[smem:$0x3FB0] =	sst s8  }
0x11: {  	[smem:$0x3FB1] =	sst s9;
	s0 =	simm.s32 @!p0 $0x0  }
0x12: {  	s1 =	sld [smem:$0x3F97];
	s0 =	simm.s32 @p0 $0x1  }
0x13: {  	[smem:$0x3FB2] =	sst s0;
	s0 =	simm.s32 @!p1 $0x0  }
0x14: {  	s2 =	sld [smem:$0x3F96];
	s0 =	simm.s32 @p1 $0x1  }
0x15: {  	[smem:$0x3FB3] =	sst s0;
	s0 =	simm.s32 @!p2 $0x0  }
0x16: {  	s3 =	sld [smem:$0x3FDB];
	s0 =	simm.s32 @p2 $0x1  }
0x17: {  	s4 =	simm.s32 $0x1BF5;
	[smem:$0x3FB5] =	sst s0  }
0x18: {  	s0 =	sld [smem:$0x3F98];
	_ =	swait.ge [sflag:s4], $0x0  }
0x19: {  	s7 =	sld [smem:$0x3F99]  }
0x1a: {  	s8 =	sadd.s32 $0xFFFFE003, lr  }
0x1b: {  	s9 =	sadd.s32 $0xFFFFFEF7, lr;
	s5 =	simm.s32 $0xFFFFFFFF;
	p2 =	slt.u32 s8, $0xFFFFF086  }
0x1c: {  	p1 =	slt.u32 s9, $0xF7A;
	s5 =	simm.s32 @!p2 $0x0  }
0x1d: {  	s5 =	simm.s32 @p1 $0x1;
	p0 =	seq.s32 s7, s2  }
0x1e: {  	s7 =	smul.u32 @!p0 $0xF7A, s2;
	p2 =	seq.s32 @!p0 s5, $0x0  }
0x1f: {  	s9 =	smul.u32 $0xF7A, s1;
	s8 =	simm.s32 @!p0 $0x1BF5;
	p2 =	por !p2, p0  }
0x20: {  	[sflag:s8] =	ssyncset.s32 @!p0 $0xFFFFF086;
	s6 =	sadd.s32 @!p0 s3, s7;
	s7 =	simm.s32 @!p0 $0x108  }
0x21: {  	s3 =	sadd.s32 s3, s9;
	s6 =	sadd.s32 @!p0 $0x88, s6;
	s7 =	simm.s32 @p2 $0x1082  }
0x22: {  	[simem:s7], [sflag:s8] =	dma.local @!p0 [hbm:s6], $0xF7A  }
0x23: {  	s9 =	sor.u32 $0xD0000000, s2;
	s6 =	simm.s32 $0x108;
	_ =	swait.ge @!p0 [sflag:s8], $0x0  }
0x24: {  	s3 =	sadd.s32 $0x88, s3;
	s6 =	simm.s32 @!p1 $0x1082;
	[sflag:s4] =	ssyncset.s32 $0xFFFFF086  }
0x25: {  	[simem:s6], [sflag:s4] =	dma.local [hbm:s3], $0xF7A  }
0x26: {  	[smem:$0x3F99] =	sst s1;
	(tag) =	ssettag s2;
	_ =	strace s9  }
0x27: {  	s1 =	sld [smem:$0x3FA9]  }
0x28: {  	s2 =	sld [smem:$0x3FAA]  }
0x29: {  	s4 =	sld [smem:$0x3FAC]  }
0x2a: {  	p0 =	seq.s32 s5, $0x0;
	s5 =	sld [smem:$0x3FAD]  }
0x2b: {  	s6 =	sld [smem:$0x3FAE]  }
0x2c: {  	s7 =	sld [smem:$0x3FAF]  }
0x2d: {  	s3 =	simm.s32 $0x108;
	s8 =	sld [smem:$0x3FB0]  }
0x2e: {  	s3 =	simm.s32 @!p0 $0x1082;
	s9 =	sld [smem:$0x3FB1]  }
0x2f: {  	lr =	sadd.s32 s0, s3;
	s0 =	sld [smem:$0x3FA8]  }
0x30: {  	s3 =	sld [smem:$0x3FAB]  }
0x31: {  	[smem:$0x3FB4] =	sst s10  }
0x32: {  	s10 =	sld [smem:$0x3FB2];
	_ =	sdelay $0x3  }
0x33: {  	p0 =	seq.s32 s10, $0x1;
	s10 =	sld [smem:$0x3FB4];
	_ =	sdelay $0x3  }
0x34: {  	[smem:$0x3FB4] =	sst s10  }
0x35: {  	s10 =	sld [smem:$0x3FB3];
	_ =	sdelay $0x3  }
0x36: {  	p1 =	seq.s32 s10, $0x1;
	s10 =	sld [smem:$0x3FB4];
	_ =	sdelay $0x3  }
0x37: {  	[smem:$0x3FB4] =	sst s10  }
0x38: {  	s10 =	sld [smem:$0x3FB5]  }
0x39: {  	_ = 	snop;
	(pc) =	sbr.ind lr, $3  }
0x3a: {  	_ = 	snop  }
0x3b: {  	_ = 	snop  }
0x3c: {  	p2 =	seq.s32 s10, $0x1;
	s10 =	sld [smem:$0x3FB4]  }
0x3d: {  	_ =	shalt  }
0x3e: {  	_ =	shalt  }
0x3f: {  	_ =	shalt  }
0x40: {  	_ =	shalt  }
0x41: {  	_ =	shalt  }
0x42: {  	_ =	shalt  }
0x43: {  	_ =	shalt  }
0x44: {  	_ =	shalt  }
0x45: {  	_ =	shalt  }
0x46: {  	_ =	shalt  }
0x47: {  	_ =	shalt  }
0x48: {  	_ =	shalt  }
0x49: {  	_ =	shalt  }
0x4a: {  	_ =	shalt  }
0x4b: {  	_ =	shalt  }
0x4c: {  	_ =	shalt  }
0x4d: {  	_ =	shalt  }
0x4e: {  	_ =	shalt  }
0x4f: {  	_ =	shalt  }
0x50: {  	_ =	shalt  }
0x51: {  	_ =	shalt  }
0x52: {  	_ =	shalt  }
0x53: {  	_ =	shalt  }
0x54: {  	_ =	shalt  }
0x55: {  	_ =	shalt  }
0x56: {  	_ =	shalt  }
0x57: {  	_ =	shalt  }
0x58: {  	_ =	shalt  }
0x59: {  	_ =	shalt  }
0x5a: {  	_ =	shalt  }
0x5b: {  	_ =	shalt  }
0x5c: {  	_ =	shalt  }
0x5d: {  	_ =	shalt  }
0x5e: {  	_ =	shalt  }
0x5f: {  	_ =	shalt  }
0x60: {  	_ =	shalt  }
0x61: {  	_ =	shalt  }
0x62: {  	_ =	shalt  }
0x63: {  	_ =	shalt  }
0x64: {  	_ =	shalt  }
0x65: {  	_ =	shalt  }
0x66: {  	_ =	shalt  }
0x67: {  	_ =	shalt  }
0x68: {  	_ =	shalt  }
0x69: {  	_ =	shalt  }
0x6a: {  	_ =	shalt  }
0x6b: {  	_ =	shalt  }
0x6c: {  	_ =	shalt  }
0x6d: {  	_ =	shalt  }
0x6e: {  	_ =	shalt  }
0x6f: {  	_ =	shalt  }
0x70: {  	_ =	shalt  }
0x71: {  	_ =	shalt  }
0x72: {  	_ =	shalt  }
0x73: {  	_ =	shalt  }
0x74: {  	_ =	shalt  }
0x75: {  	_ =	shalt  }
0x76: {  	_ =	shalt  }
0x77: {  	_ =	shalt  }
0x78: {  	_ =	shalt  }
0x79: {  	_ =	shalt  }
0x7a: {  	_ =	shalt  }
0x7b: {  	_ =	shalt  }
0x7c: {  	_ =	shalt  }
0x7d: {  	_ =	shalt  }
0x7e: {  	_ =	shalt  }
0x7f: {  	_ =	shalt  }
0x80: {  	_ =	shalt  }
0x81: {  	_ =	shalt  }
0x82: {  	_ =	shalt  }
0x83: {  	_ =	shalt  }
0x84: {  	_ =	shalt  }
0x85: {  	_ =	shalt  }
0x86: {  	_ =	shalt  }
0x87: {  	_ =	shalt  }
.Lfunc_end0:
.L_simem_size_0:
called_computation.1_lowered:
.L_overlay_start_0:
0x88: {  	s2 =	sld [smem:$0x3FD9]  }
0x89: {  	s3 =	sld [smem:$0x3FFE];
	_ =	sdelay $0x1  }
0x8a: {  	s1 =	srdreg.scid  }
0x8b: {  	s0 =	sand.u32 $0x1, s1  }
0x8c: {  	s17 =	sshll.u32 s0, $0xA;
	s2 =	sadd.s32 s3, s2  }
0x8d: {  	s2 =	sadd.s32 s2, s17  }
0x8e: {  	[smem:$0x3FC0] =	sst s2  }
0x8f: {  	_ = 	snop  }
0x90: {  	s2 =	sld [smem:$0x3FD0];
	(tm) =	ssettm $0x1  }
0x91: {  	s18 =	sld [smem:$0x3FFB];
	_ =	sdelay $0x3  }
0x92: {  	_ =	strace s18  }
0x93: {  	s3 =	sld [smem:$0x3FFC];
	_ =	sdelay $0x3  }
0x94: {  	_ =	strace s3  }
0x95: {  	s3 =	sld [smem:$0x3FFD];
	_ =	sdelay $0x3  }
0x96: {  	_ =	strace s3  }
0x97: {  	_ =	strace $0x8FFFFFFF  }
0x98: {  	s19 =	sld [smem:$0x3FDB];
	_ =	sdelay $0x1  }
0x99: {  	s4 =	simm.s32 $_scs_section_size  }
0x9a: {  	s5 =	simm.s32 $_size__tile_overlayer_lowered;
	s6 =	simm.s32 $_tile_overlayer_lowered  }
0x9b: {  	s22 =	simm.s32 $0x1BFF;
	s21 =	sshll.u32 s6, $0x1;
	s3 =	sadd.s32 s4, s19  }
0x9c: {  	s7 =	simm.s32 $0x0;
	s20 =	sshll.u32 s5, $0x1;
	s5 =	sadd.s32 s21, s3  }
0x9d: {  	[timem:s7], [sflag:s22] =	dma.local [hbm:s5], s20  }
0x9e: {  	_ =	swait.ge [sflag:s22], s20  }
0x9f: {  	s4 =	ssub.s32 $0x0, s20;
	[sflag:s22] =	ssyncset.done $0x0  }
0xa0: {  	[sflag:s22] =	ssyncadd.s32 s4;
	_ =	sdelay $0x1  }
0xa1: {  	s23 =	simm.s32 $0x1B8B  }
0xa2: {  	_ =	swait.ge [sflag:s23], $0x1  }
0xa3: {  	[sflag:s23] =	ssyncset.done $0x0  }
0xa4: {  	s25 =	simm.s32 $0x1B8E;
	s24 =	sld [smem:$0x3FFE];
	[sflag:s23] =	ssyncadd.s32 $0xFFFFFFFF  }
0xa5: {  	s26 =	simm.s32 $execute0_lowered;
	[smem:$0x3FD2] =	sst s25  }
0xa6: {  	s5 =	sshll.u32 s26, $0x1;
	_ =	strace $0x80000049;
	[dreg:$0x1] =	wrdreg $0xFFFFFFFF  }
0xa7: {  	s28 =	simm.s32 $_size_execute0_lowered;
	s3 =	sadd.s32 s3, s5;
	[dreg:$0x0] =	wrdreg $0x0  }
0xa8: {  	s5 =	sshll.u32 s28, $0x1;
	[dreg:$0x2] =	wrdreg s3  }
0xa9: {  	[dreg:$0x3] =	wrdreg s5  }
0xaa: {  	[dreg:$0x4] =	wrdreg $0xC0  }
0xab: {  	_ =	task [dreg:s7], $0x5FFFF  }
0xac: {  	[dreg:$0x1] =	wrdreg $0xFFFFFFFF  }
0xad: {  	[dreg:$0x0] =	wrdreg $0x60  }
0xae: {  	[dreg:$0x2] =	wrdreg s24  }
0xaf: {  	[dreg:$0x3] =	wrdreg s2  }
0xb0: {  	[dreg:$0x4] =	wrdreg $0xD1000  }
0xb1: {  	[dreg:$0x5] =	wrdreg $0x9  }
0xb2: {  	_ =	task.clear_ibuf [dreg:s7], $0x6FFFF;
	_ =	strace $0x90000049  }
0xb3: {  	s29 =	simm.s32 $0x9;
	_ =	strace $0x8000004B  }
0xb4: {  	_ =	swait.ge [sflag:s29], $0x1  }
0xb5: {  	[sflag:s29] =	ssyncadd.s32 $0xFFFFFFFF  }
0xb6: {  	_ =	strace $0x9000004B  }
0xb7: {  	_ =	sfence  }
0xb8: {  	s30 =	sld [smem:$0x0];
	_ =	sdelay $0x2  }
0xb9: {  	s31 =	sshll.u32 s1, $0xD;
	s1 =	sshrl.u32 s1, $0x2  }
0xba: {  	s3 =	sand.u32 $0x4000, s31;
	s1 =	sadd.s32 s1, s30  }
0xbb: {  	s0 =	sor.u32 s3, s0;
	s1 =	sshll.u32 s1, $0x11  }
0xbc: {  	s0 =	sor.u32 s1, s0  }
0xbd: {  	s0 =	sadd.s32 $0x8F2B, s0  }
0xbe: {  	[sflag:s0] =	ssyncadd.remote.s32 $0x1  }
0xbf: {  	_ =	sfence.sel $0xFFFF  }
0xc0: {  	[dreg:$0x0] =	wrdreg $0xFFFFFFFF;
	(pc) =	sbr.abs _section_cstart, $3  }
0xc1: {  	[dreg:$0x1] =	wrdreg $0xFFFFFFFF  }
0xc2: {  	_ =	task.clear_ibuf [dreg:s7], $0x2FFFF;
	_ =	strace $0x9FFFFFFF  }
0xc3: {  	(tm) =	ssettm $0x7FFFFFFF  }
tec
execute0_lowered:
.L_overlay_start_1:
0x0: {  	(tag) =	ssettag $0x1  }
0x1: {  	s0 =	rddreg [dreg:$0x0]  }
0x2: {  	s1 =	srdreg.scid;
	s5 =	rddreg [dreg:$0x1]  }
0x3: {  	s2 =	rddreg [dreg:$0x2];
	s13 =	stileid.u32  }
0x4: {  	s3 =	simm.s32 $0x0;
	s19 =	simm.s32 $0xCF00;
	s20 =	simm.s32 $0x9  }
0x5: {  	s28 =	simm.s32 $0x8F00;
	s30 =	simm.s32 $0xAF00;
	s31 =	simm.s32 $0x2  }
0x6: {  	s29 =	simm.s32 $0x4;
	s1 =	sand.u32 $0x1, s1;
	s7 =	smul.u32 $0x27800, s13  }
0x7: {  	[smem:$0x7FF] =	sst s3;
	s9 =	smul.u32 $0x278, s13;
	s10 =	sadd.s32 $0x1EE00, s0  }
0x8: {  	s4 =	sshll.u32 s1, $0x4;
	_ =	strace $0x8000004A;
	s11 =	smul.u32 $0x13C00, s1  }
0x9: {  	[dreg:$0x4] =	wrdreg s10;
	s21 =	ssub.s32 $0x2, s1;
	s1 =	smul.u32 $0x2780, s1  }
0xa: {  	s4 =	sor.u32 s13, s4;
	s12 =	sshrl.u32 s21, $0x1;
	s13 =	smul.u32 $0x13C0, s13  }
0xb: {  	s22 =	sshrl.u32 s7, $0x2;
	s7 =	simm.s32 $0x0;
	s6 =	smul.u32 $0x4F0, s4  }
0xc: {  	s4 =	sadd.s32 $0xB200, s0;
	s10 =	ssub.s32 s21, s12;
	s1 =	sadd.s32 s1, s9  }
0xd: {  	s21 =	simm.s32 $0x2780;
	s23 =	sadd.s32 s13, s11;
	s1 =	sshll.u32 s1, $0x3  }
0xe: {  	s26 =	smax.u32 s10, $0x1;
	s8 =	sadd.s32 s6, s0;
	s0 =	sadd.s32 $0x1F000, s0  }
0xf: {  	s5 =	sadd.s32 s5, s6;
	[dreg:$0x9] =	wrdreg s26;
	s26 =	simm.s32 $0x5  }
0x10: {  	s6 =	simm.s32 $0x8;
	s8 =	sadd.s32 $0x1400, s8;
	[dreg:$0x6] =	wrdreg s5  }
0x11: {  	s24 =	sadd.s32 s23, s0;
	s12 =	sadd.s32 s0, s1;
	s23 =	simm.s32 $0x80  }
0x12: {  	s1 =	simm.s32 $0x3;
	s0 =	simm.s32 $0x6;
	[dreg:$0x5] =	wrdreg s8  }
0x13: {  	s8 =	sadd.s32 s22, s2;
	s5 =	sadd.s32 $0x1000, s24;
	s14 =	sadd.s32 $0x400, s12  }
0x14: {  	s16 =	sadd.s32 $0x800, s12;
	s18 =	sadd.s32 $0xC00, s12;
	s22 =	simm.s32 $0x1  }
0x15: {  	s24 =	simm.s32 $0x4F00;
	s25 =	sadd.s32 $0x8000, s8;
	[dreg:$0x8] =	wrdreg s5  }
0x16: {  	s13 =	sadd.s32 $0x2000, s8;
	s15 =	sadd.s32 $0x4000, s8;
	s17 =	sadd.s32 $0x6000, s8  }
0x17: {  	s5 =	simm.s32 $0x7;
	[dreg:$0x7] =	wrdreg s25;
	s25 =	simm.s32 $0x6F00  }
.LBB2_1:
0x18: {  	s9 =	rddreg [dreg:$0x4]  }
0x19: {  	[tilespmem:s19], [sflag:$0x9] =	stream.linear.gather [hbm4b:s9+s3], $0x200, $0x38;
	[tilespmem:$0x16F00] =	vst v63  }
0x1a: {  	_ =	swait.ge [sflag:s20], $0x200  }
0x1b: {  	[sflag:s20] =	ssyncset.done $0x0  }
0x1c: {  	s10 =	rddreg [dreg:$0x5];
	[sflag:s20] =	ssyncadd.s32 $0xFFFFFE00  }
0x1d: {  	[tilespmem:s3], [sflag:$0x9] =	stream.linear.gather [hbm4b:s10+s3], $0x2780, $0x38;
	[tilespmem:$0x16F00] =	vst v63  }
0x1e: {  	_ =	swait.ge [sflag:s20], $0x2780  }
0x1f: {  	[sflag:s20] =	ssyncset.done $0x0  }
0x20: {  	s11 =	rddreg [dreg:$0x6];
	[sflag:s20] =	ssyncadd.s32 $0xFFFFD880  }
0x21: {  	[tilespmem:s21], [sflag:$0x9] =	stream.linear.gather [hbm4b:s11+s3], $0x2780, $0x38;
	[tilespmem:$0x16F00] =	vst v63  }
0x22: {  	_ =	swait.ge [sflag:s20], $0x2780  }
0x23: {  	[sflag:s20] =	ssyncset.done $0x0  }
0x24: {  	s9 =	simm.s32 $0x0;
	[sflag:s20] =	ssyncadd.s32 $0xFFFFD880  }
.LBB2_2:
0x25: {  	p0 =	sne.s32 s9, $0x27000  }
.Ltmp0:
0x26: {  	_ = 	snop;
	(pc) =	sbr.rel @p0 .LBB2_2-.Ltmp0, $4  }
0x27: {  	_ = 	snop  }
0x28: {  	s10 =	sshra.s32 s9, $0x2  }
0x29: {  	s9 =	sadd.s32 $0x800, s9;
	s10 =	sadd.s32 s10, s8  }
0x2a: {  	[spmem:s10] =	stream.linear.scatter [tilespmem:s19], [sflag:$0x1], $0x200, $0x38;
	[tilespmem:$0x16F00] =	vst v63  }
0x2b: {  	_ =	swait.ge [sflag:s22], $0x200  }
0x2c: {  	s9 =	simm.s32 $0x4E;
	[sflag:s22] =	ssyncset.done $0x0  }
.LBB2_4:
0x2d: {  	p0 =	sne.s32 s9, $0x1;
	s9 =	sadd.s32 $0xFFFFFFFF, s9;
	[sflag:s22] =	ssyncadd.s32 $0xFFFFFE00  }
.Ltmp1:
0x2e: {  	(pc) =	sbr.rel @p0 .LBB2_4-.Ltmp1, $3  }
0x2f: {  	_ =	sdelay $0x1  }
0x30: {  	_ =	swait.ge [sflag:s22], $0x200  }
0x31: {  	[sflag:s22] =	ssyncset.done $0x0  }
0x32: {  	[sflag:s22] =	ssyncadd.s32 $0xFFFFFE00  }
0x33: {  	s9 =	simm.s32 $0x0;
	[bflag:$0x0] =	sbarrier.arrive $0xFFFF  }
0x34: {  	[tilespmem:s24], [sflag:$0x1] =	stream.indirect.gather [hbm4b:s4+s23], $0x40, s9, s23, $0xb8;
	[tilespmem:$0x16F00] =	vst v63  }
0x35: {  	_ = 	snop  }
0x36: {  	[tilespmem:s25], [sflag:$0x2] =	stream.indirect.gather [hbm4b:s4+s23], $0x40, s23, s23, $0xb8;
	[tilespmem:$0x16F00] =	vst v63  }
0x37: {  	s10 =	simm.s32 $0x100  }
0x38: {  	[tilespmem:s28], [sflag:$0x3] =	stream.indirect.gather [hbm4b:s4+s23], $0x40, s10, s23, $0xb8;
	[tilespmem:$0x16F00] =	vst v63  }
0x39: {  	s11 =	simm.s32 $0x180  }
0x3a: {  	[tilespmem:s30], [sflag:$0x4] =	stream.indirect.gather [hbm4b:s4+s23], $0x40, s11, s23, $0xb8;
	[tilespmem:$0x16F00] =	vst v63  }
0x3b: {  	_ =	swait.ge [sflag:s22], $0x2000  }
0x3c: {  	[sflag:s22] =	ssyncset.done $0x0  }
0x3d: {  	[sflag:s22] =	ssyncadd.s32 $0xFFFFE000  }
0x3e: {  	[spmem:s2] =	stream.indirect.scatter.add.f32 [tilespmem:s24], [sflag:$0x5], $0x40, s21, s23, $0xb8;
	[tilespmem:$0x16F00] =	vst v63  }
0x3f: {  	_ =	swait.ge [sflag:s31], $0x2000  }
0x40: {  	[sflag:s31] =	ssyncset.done $0x0  }
0x41: {  	s10 =	simm.s32 $0x2800;
	[sflag:s31] =	ssyncadd.s32 $0xFFFFE000  }
0x42: {  	[spmem:s2] =	stream.indirect.scatter.add.f32 [tilespmem:s25], [sflag:$0x6], $0x40, s10, s23, $0xb8;
	[tilespmem:$0x16F00] =	vst v63  }
0x43: {  	_ =	swait.ge [sflag:s1], $0x2000  }
0x44: {  	[sflag:s1] =	ssyncset.done $0x0  }
0x45: {  	s11 =	simm.s32 $0x2880;
	[sflag:s1] =	ssyncadd.s32 $0xFFFFE000  }
0x46: {  	[spmem:s2] =	stream.indirect.scatter.add.f32 [tilespmem:s28], [sflag:$0x7], $0x40, s11, s23, $0xb8;
	[tilespmem:$0x16F00] =	vst v63  }
0x47: {  	_ =	swait.ge [sflag:s29], $0x2000  }
0x48: {  	[sflag:s29] =	ssyncset.done $0x0  }
0x49: {  	s10 =	simm.s32 $0x2900;
	[sflag:s29] =	ssyncadd.s32 $0xFFFFE000  }
0x4a: {  	[spmem:s2] =	stream.indirect.scatter.add.f32 [tilespmem:s30], [sflag:$0x8], $0x40, s10, s23, $0xb8;
	[tilespmem:$0x16F00] =	vst v63  }
0x4b: {  	_ =	swait.ge [sflag:s26], $0x2000  }
0x4c: {  	[sflag:s26] =	ssyncset.done $0x0  }
0x4d: {  	s11 =	simm.s32 $0x200;
	[sflag:s26] =	ssyncadd.s32 $0xFFFFE000  }
0x4e: {  	[tilespmem:s24], [sflag:$0x1] =	stream.indirect.gather [hbm4b:s4+s23], $0x40, s11, s23, $0xb8;
	[tilespmem:$0x16F00] =	vst v63  }
0x4f: {  	_ =	swait.ge [sflag:s0], $0x2000  }
0x50: {  	[sflag:s0] =	ssyncset.done $0x0  }
0x51: {  	s10 =	simm.s32 $0x280;
	[sflag:s0] =	ssyncadd.s32 $0xFFFFE000  }
0x52: {  	[tilespmem:s25], [sflag:$0x2] =	stream.indirect.gather [hbm4b:s4+s23], $0x40, s10, s23, $0xb8;
	[tilespmem:$0x16F00] =	vst v63  }
0x53: {  	_ =	swait.ge [sflag:s5], $0x2000  }
0x54: {  	[sflag:s5] =	ssyncset.done $0x0  }
0x55: {  	s11 =	simm.s32 $0x300;
	[sflag:s5] =	ssyncadd.s32 $0xFFFFE000  }
0x56: {  	[tilespmem:s28], [sflag:$0x3] =	stream.indirect.gather [hbm4b:s4+s23], $0x40, s11, s23, $0xb8;
	[tilespmem:$0x16F00] =	vst v63  }
0x57: {  	_ =	swait.ge [sflag:s6], $0x2000  }
0x58: {  	[sflag:s6] =	ssyncset.done $0x0  }
0x59: {  	s10 =	simm.s32 $0x380;
	[sflag:s6] =	ssyncadd.s32 $0xFFFFE000  }
0x5a: {  	[tilespmem:s30], [sflag:$0x4] =	stream.indirect.gather [hbm4b:s4+s23], $0x40, s10, s23, $0xb8;
	[tilespmem:$0x16F00] =	vst v63  }
0x5b: {  	_ =	swait.ge [sflag:s22], $0x2000  }
0x5c: {  	[sflag:s22] =	ssyncset.done $0x0  }
0x5d: {  	s11 =	simm.s32 $0x2980;
	[sflag:s22] =	ssyncadd.s32 $0xFFFFE000  }
0x5e: {  	[spmem:s2] =	stream.indirect.scatter.add.f32 [tilespmem:s24], [sflag:$0x5], $0x40, s11, s23, $0xb8;
	[tilespmem:$0x16F00] =	vst v63  }
0x5f: {  	_ =	swait.ge [sflag:s31], $0x2000  }
0x60: {  	[sflag:s31] =	ssyncset.done $0x0  }
0x61: {  	s10 =	simm.s32 $0x2A00;
	[sflag:s31] =	ssyncadd.s32 $0xFFFFE000  }
0x62: {  	[spmem:s2] =	stream.indirect.scatter.add.f32 [tilespmem:s25], [sflag:$0x6], $0x40, s10, s23, $0xb8;
	[tilespmem:$0x16F00] =	vst v63  }
0x63: {  	_ =	swait.ge [sflag:s1], $0x2000  }
0x64: {  	[sflag:s1] =	ssyncset.done $0x0  }
0x65: {  	s11 =	simm.s32 $0x2A80;
	[sflag:s1] =	ssyncadd.s32 $0xFFFFE000  }
0x66: {  	[spmem:s2] =	stream.indirect.scatter.add.f32 [tilespmem:s28], [sflag:$0x7], $0x40, s11, s23, $0xb8;
	[tilespmem:$0x16F00] =	vst v63  }
0x67: {  	_ =	swait.ge [sflag:s29], $0x2000  }
0x68: {  	[sflag:s29] =	ssyncset.done $0x0  }
0x69: {  	s9 =	simm.s32 $0x800;
	s10 =	simm.s32 $0x2B00;
	[sflag:s29] =	ssyncadd.s32 $0xFFFFE000  }
.LBB2_6:
0x6a: {  	[spmem:s2] =	stream.indirect.scatter.add.f32 [tilespmem:s30], [sflag:$0x8], $0x40, s10, s23, $0xb8;
	[tilespmem:$0x16F00] =	vst v63  }
0x6b: {  	s10 =	smov.u32 s9  }
0x6c: {  	p0 =	sne.s32 s9, $0x8800;
	s9 =	sadd.s32 $0x800, s9;
	_ =	swait.ge [sflag:s26], $0x2000  }
0x6d: {  	s10 =	sshra.s32 s10, $0x2;
	[sflag:s26] =	ssyncset.done $0x0  }
0x6e: {  	s11 =	sadd.s32 $0x200, s10;
	[sflag:s26] =	ssyncadd.s32 $0xFFFFE000  }
0x6f: {  	[tilespmem:s24], [sflag:$0x1] =	stream.indirect.gather [hbm4b:s4+s23], $0x40, s11, s23, $0xb8;
	[tilespmem:$0x16F00] =	vst v63  }
0x70: {  	_ =	swait.ge [sflag:s0], $0x2000  }
0x71: {  	[sflag:s0] =	ssyncset.done $0x0  }
0x72: {  	s11 =	sadd.s32 $0x280, s10;
	[sflag:s0] =	ssyncadd.s32 $0xFFFFE000  }
0x73: {  	[tilespmem:s25], [sflag:$0x2] =	stream.indirect.gather [hbm4b:s4+s23], $0x40, s11, s23, $0xb8;
	[tilespmem:$0x16F00] =	vst v63  }
0x74: {  	_ =	swait.ge [sflag:s5], $0x2000  }
0x75: {  	[sflag:s5] =	ssyncset.done $0x0  }
0x76: {  	s11 =	sadd.s32 $0x300, s10;
	[sflag:s5] =	ssyncadd.s32 $0xFFFFE000  }
0x77: {  	[tilespmem:s28], [sflag:$0x3] =	stream.indirect.gather [hbm4b:s4+s23], $0x40, s11, s23, $0xb8;
	[tilespmem:$0x16F00] =	vst v63  }
0x78: {  	_ =	swait.ge [sflag:s6], $0x2000  }
0x79: {  	[sflag:s6] =	ssyncset.done $0x0  }
0x7a: {  	s11 =	sadd.s32 $0x380, s10;
	[sflag:s6] =	ssyncadd.s32 $0xFFFFE000  }
0x7b: {  	[tilespmem:s30], [sflag:$0x4] =	stream.indirect.gather [hbm4b:s4+s23], $0x40, s11, s23, $0xb8;
	[tilespmem:$0x16F00] =	vst v63  }
0x7c: {  	_ =	swait.ge [sflag:s22], $0x2000  }
0x7d: {  	[sflag:s22] =	ssyncset.done $0x0  }
0x7e: {  	s11 =	sadd.s32 $0x2980, s10;
	[sflag:s22] =	ssyncadd.s32 $0xFFFFE000  }
0x7f: {  	[spmem:s2] =	stream.indirect.scatter.add.f32 [tilespmem:s24], [sflag:$0x5], $0x40, s11, s23, $0xb8;
	[tilespmem:$0x16F00] =	vst v63  }
0x80: {  	_ =	swait.ge [sflag:s31], $0x2000  }
0x81: {  	[sflag:s31] =	ssyncset.done $0x0  }
0x82: {  	s11 =	sadd.s32 $0x2A00, s10;
	[sflag:s31] =	ssyncadd.s32 $0xFFFFE000  }
0x83: {  	[spmem:s2] =	stream.indirect.scatter.add.f32 [tilespmem:s25], [sflag:$0x6], $0x40, s11, s23, $0xb8;
	[tilespmem:$0x16F00] =	vst v63  }
0x84: {  	_ =	swait.ge [sflag:s1], $0x2000  }
0x85: {  	[sflag:s1] =	ssyncset.done $0x0  }
.Ltmp2:
0x86: {  	s11 =	sadd.s32 $0x2A80, s10;
	[sflag:s1] =	ssyncadd.s32 $0xFFFFE000;
	(pc) =	sbr.rel @p0 .LBB2_6-.Ltmp2, $4  }
0x87: {  	[spmem:s2] =	stream.indirect.scatter.add.f32 [tilespmem:s28], [sflag:$0x7], $0x40, s11, s23, $0xb8;
	[tilespmem:$0x16F00] =	vst v63  }
0x88: {  	_ =	swait.ge [sflag:s29], $0x2000  }
0x89: {  	[sflag:s29] =	ssyncset.done $0x0  }
0x8a: {  	s10 =	sadd.s32 $0x2B00, s10;
	[sflag:s29] =	ssyncadd.s32 $0xFFFFE000  }
0x8b: {  	[spmem:s2] =	stream.indirect.scatter.add.f32 [tilespmem:s30], [sflag:$0x8], $0x40, s10, s23, $0xb8;
	[tilespmem:$0x16F00] =	vst v63  }
0x8c: {  	_ =	swait.ge [sflag:s26], $0x2000  }
0x8d: {  	[sflag:s26] =	ssyncset.done $0x0  }
0x8e: {  	[sflag:s26] =	ssyncadd.s32 $0xFFFFE000  }
0x8f: {  	_ =	swait.ge [sflag:s0], $0x2000  }
0x90: {  	[sflag:s0] =	ssyncset.done $0x0  }
0x91: {  	[sflag:s0] =	ssyncadd.s32 $0xFFFFE000  }
0x92: {  	_ =	swait.ge [sflag:s5], $0x2000  }
0x93: {  	[sflag:s5] =	ssyncset.done $0x0  }
0x94: {  	[sflag:s5] =	ssyncadd.s32 $0xFFFFE000  }
0x95: {  	_ =	swait.ge [sflag:s6], $0x2000  }
0x96: {  	[sflag:s6] =	ssyncset.done $0x0  }
0x97: {  	s9 =	simm.s32 $0x2600;
	[sflag:s6] =	ssyncadd.s32 $0xFFFFE000  }
0x98: {  	[tilespmem:s24], [sflag:$0x9] =	stream.indirect.gather [hbm4b:s4+s23], $0x40, s9, s23, $0xb8;
	[tilespmem:$0x16F00] =	vst v63  }
0x99: {  	_ =	swait.ge [sflag:s20], $0x2000  }
0x9a: {  	[sflag:s20] =	ssyncset.done $0x0  }
0x9b: {  	s10 =	simm.s32 $0x4D80;
	[sflag:s20] =	ssyncadd.s32 $0xFFFFE000  }
0x9c: {  	[spmem:s2] =	stream.indirect.scatter.add.f32 [tilespmem:s24], [sflag:$0x9], $0x40, s10, s23, $0xb8;
	[tilespmem:$0x16F00] =	vst v63  }
0x9d: {  	_ =	swait.ge [sflag:s20], $0x2000  }
0x9e: {  	[sflag:s20] =	ssyncset.done $0x0  }
0x9f: {  	s11 =	simm.s32 $0x2680;
	[sflag:s20] =	ssyncadd.s32 $0xFFFFE000  }
0xa0: {  	[tilespmem:s24], [sflag:$0x9] =	stream.indirect.gather [hbm4b:s4+s23], $0x40, s11, s23, $0xb8;
	[tilespmem:$0x16F00] =	vst v63  }
0xa1: {  	_ =	swait.ge [sflag:s20], $0x2000  }
0xa2: {  	[sflag:s20] =	ssyncset.done $0x0  }
0xa3: {  	s10 =	simm.s32 $0x4E00;
	[sflag:s20] =	ssyncadd.s32 $0xFFFFE000  }
0xa4: {  	[spmem:s2] =	stream.indirect.scatter.add.f32 [tilespmem:s24], [sflag:$0x9], $0x40, s10, s23, $0xb8;
	[tilespmem:$0x16F00] =	vst v63  }
0xa5: {  	_ =	swait.ge [sflag:s20], $0x2000  }
0xa6: {  	[sflag:s20] =	ssyncset.done $0x0  }
0xa7: {  	s11 =	simm.s32 $0x2700;
	[sflag:s20] =	ssyncadd.s32 $0xFFFFE000  }
0xa8: {  	[tilespmem:s24], [sflag:$0x9] =	stream.indirect.gather [hbm4b:s4+s23], $0x40, s11, s23, $0xb8;
	[tilespmem:$0x16F00] =	vst v63  }
0xa9: {  	_ =	swait.ge [sflag:s20], $0x2000  }
0xaa: {  	[sflag:s20] =	ssyncset.done $0x0  }
0xab: {  	s10 =	simm.s32 $0x4E80;
	[sflag:s20] =	ssyncadd.s32 $0xFFFFE000  }
0xac: {  	[spmem:s2] =	stream.indirect.scatter.add.f32 [tilespmem:s24], [sflag:$0x9], $0x40, s10, s23, $0xb8;
	[tilespmem:$0x16F00] =	vst v63  }
0xad: {  	_ =	swait.ge [sflag:s20], $0x2000  }
0xae: {  	[sflag:s20] =	ssyncset.done $0x0  }
0xaf: {  	[sflag:s20] =	ssyncadd.s32 $0xFFFFE000  }
0xb0: {  	[bflag:$0x0] =	sbarrier.arrive $0xFFFF  }
0xb1: {  	[tilespmem:s24], [sflag:$0x9] =	stream.linear.gather [spmem:s8], $0x2000, $0x38;
	[tilespmem:$0x16F00] =	vst v63  }
0xb2: {  	_ =	swait.ge [sflag:s20], $0x2000  }
0xb3: {  	[sflag:s20] =	ssyncset.done $0x0  }
0xb4: {  	[sflag:s20] =	ssyncadd.s32 $0xFFFFE000  }
0xb5: {  	[hbm4b:s12+s3] =	stream.linear.scatter [tilespmem:s24], [sflag:$0x9], $0x2000, $0x38;
	[tilespmem:$0x16F00] =	vst v63  }
0xb6: {  	_ =	swait.ge [sflag:s20], $0x2000  }
0xb7: {  	[sflag:s20] =	ssyncset.done $0x0  }
0xb8: {  	[sflag:s20] =	ssyncadd.s32 $0xFFFFE000  }
0xb9: {  	[tilespmem:s24], [sflag:$0x9] =	stream.linear.gather [spmem:s13], $0x2000, $0x38;
	[tilespmem:$0x16F00] =	vst v63  }
0xba: {  	_ =	swait.ge [sflag:s20], $0x2000  }
0xbb: {  	[sflag:s20] =	ssyncset.done $0x0  }
0xbc: {  	[sflag:s20] =	ssyncadd.s32 $0xFFFFE000  }
0xbd: {  	[hbm4b:s14+s3] =	stream.linear.scatter [tilespmem:s24], [sflag:$0x9], $0x2000, $0x38;
	[tilespmem:$0x16F00] =	vst v63  }
0xbe: {  	_ =	swait.ge [sflag:s20], $0x2000  }
0xbf: {  	[sflag:s20] =	ssyncset.done $0x0  }
0xc0: {  	[sflag:s20] =	ssyncadd.s32 $0xFFFFE000  }
0xc1: {  	[tilespmem:s24], [sflag:$0x9] =	stream.linear.gather [spmem:s15], $0x2000, $0x38;
	[tilespmem:$0x16F00] =	vst v63  }
0xc2: {  	_ =	swait.ge [sflag:s20], $0x2000  }
0xc3: {  	[sflag:s20] =	ssyncset.done $0x0  }
0xc4: {  	[sflag:s20] =	ssyncadd.s32 $0xFFFFE000  }
0xc5: {  	[hbm4b:s16+s3] =	stream.linear.scatter [tilespmem:s24], [sflag:$0x9], $0x2000, $0x38;
	[tilespmem:$0x16F00] =	vst v63  }
0xc6: {  	_ =	swait.ge [sflag:s20], $0x2000  }
0xc7: {  	[sflag:s20] =	ssyncset.done $0x0  }
0xc8: {  	[sflag:s20] =	ssyncadd.s32 $0xFFFFE000  }
0xc9: {  	[tilespmem:s24], [sflag:$0x9] =	stream.linear.gather [spmem:s17], $0x2000, $0x38;
	[tilespmem:$0x16F00] =	vst v63  }
0xca: {  	_ =	swait.ge [sflag:s20], $0x2000  }
0xcb: {  	[sflag:s20] =	ssyncset.done $0x0  }
0xcc: {  	[sflag:s20] =	ssyncadd.s32 $0xFFFFE000  }
0xcd: {  	[hbm4b:s18+s3] =	stream.linear.scatter [tilespmem:s24], [sflag:$0x9], $0x2000, $0x38;
	[tilespmem:$0x16F00] =	vst v63  }
0xce: {  	_ =	swait.ge [sflag:s20], $0x2000  }
0xcf: {  	[sflag:s20] =	ssyncset.done $0x0  }
0xd0: {  	s11 =	rddreg [dreg:$0x7];
	[sflag:s20] =	ssyncadd.s32 $0xFFFFE000  }
0xd1: {  	[tilespmem:s25], [sflag:$0x9] =	stream.linear.gather [spmem:s11], $0x1E00, $0x38;
	[tilespmem:$0x16F00] =	vst v63  }
0xd2: {  	_ =	swait.ge [sflag:s20], $0x1E00  }
0xd3: {  	[sflag:s20] =	ssyncset.done $0x0  }
0xd4: {  	s10 =	rddreg [dreg:$0x8];
	[sflag:s20] =	ssyncadd.s32 $0xFFFFE200  }
0xd5: {  	[hbm4b:s10+s3] =	stream.linear.scatter [tilespmem:s25], [sflag:$0x9], $0x1E00, $0x38;
	[tilespmem:$0x16F00] =	vst v63  }
0xd6: {  	_ =	swait.ge [sflag:s20], $0x1E00  }
0xd7: {  	s7 =	sadd.s32 $0x1, s7;
	s11 =	rddreg [dreg:$0x9]  }
0xd8: {  	p0 =	sne.s32 s7, s11  }
.Ltmp3:
0xd9: {  	_ = 	snop;
	(pc) =	sbr.rel @p0 .LBB2_1-.Ltmp3, $3  }
0xda: {  	_ =	sdelay $0x1  }
0xdb: {  	[sflag:s20] =	ssyncset.done $0x0  }
0xdc: {  	[sflag:s20] =	ssyncadd.s32 $0xFFFFE200  }
0xdd: {  	_ =	sfence.sel $0x180000  }
0xde: {  	[bflag:$0x0] =	sbarrier.arrive $0xFFFF  }
0xdf: {  	_ =	strace $0x9000004A  }
0xe0: {  	s0 =	stileid.u32;
	[bflag:$0x2] =	sbarrier.arrive $0xFFFF  }
0xe1: {  	p0 =	sne.s32 s0, $0x0;
	s0 =	rddreg [dreg:$0x3]  }
0xe2: {  	s0 =	sadd.s32 @!p0 $0x100000, s0  }
0xe3: {  	[sflag:s0] =	ssyncadd.tile.s32 @!p0 $0x1;
	_ =	shalt  }
.Lfunc_end2:
_tile_overlayer_lowered:
.L_overlay_start_2:
0xe4: {  	(tag) =	ssettag $0x2  }
0xe5: {  	s0 =	rddreg [dreg:$0x0];
	s2 =	stileid.u32  }
0xe6: {  	s1 =	rddreg [dreg:$0x1];
	p0 =	sne.s32 s2, $0x0  }
0xe7: {  	s3 =	rddreg [dreg:$0x2];
	[bflag:$0x3] =	sbarrier.arrive $0xFFFF;
	s2 =	simm.s32 @!p0 $0x1C09  }
0xe8: {  	[timem:s3], [sflag:s2] =	dma.local @!p0 [hbm:s0], s1  }
0xe9: {  	s0 =	simm.s32 @!p0 $0x9  }
0xea: {  	_ =	swait.ge @!p0 [sflag:s0], s1  }
0xeb: {  	s1 =	ssub.s32 @!p0 $0x0, s1;
	[sflag:s0] =	ssyncset.done @!p0 $0x0  }
0xec: {  	[sflag:s0] =	ssyncadd.s32 @!p0 s1  }
0xed: {  	[bflag:$0x3] =	sbarrier.arrive $0xFFFF  }
0xee: {  	_ =	shalt  }

// kernel: kernel.9.cloned.1.call-start
scs
__scs_entry_jumppad:
0x0: {  	(pc) =	sbr.rel $0x88, $3  }
0x1: {  	(tag) =	ssettag $0x0;
	lr =	simm.s32 $0x1  }
0x2: {  	[smem:$0x3F99] =	sst lr;
	_ =	strace $0xD0000000  }
0x3: {  	_ = 	snop  }
0x4: {  	_ = 	snop  }
0x5: {  	_ = 	snop  }
0x6: {  	_ = 	snop  }
0x7: {  	_ = 	snop  }
__scs_overlays_trampoline_lowered:
0x8: {  	[smem:$0x3FA8] =	sst s0  }
0x9: {  	[smem:$0x3FA9] =	sst s1  }
0xa: {  	[smem:$0x3FAA] =	sst s2  }
0xb: {  	[smem:$0x3FAB] =	sst s3  }
0xc: {  	[smem:$0x3FAC] =	sst s4  }
0xd: {  	[smem:$0x3FAD] =	sst s5  }
0xe: {  	[smem:$0x3FAE] =	sst s6  }
0xf: {  	[smem:$0x3FAF] =	sst s7  }
0x10: {  	[smem:$0x3FB0] =	sst s8  }
0x11: {  	[smem:$0x3FB1] =	sst s9;
	s0 =	simm.s32 @!p0 $0x0  }
0x12: {  	s1 =	sld [smem:$0x3F97];
	s0 =	simm.s32 @p0 $0x1  }
0x13: {  	[smem:$0x3FB2] =	sst s0;
	s0 =	simm.s32 @!p1 $0x0  }
0x14: {  	s2 =	sld [smem:$0x3F96];
	s0 =	simm.s32 @p1 $0x1  }
0x15: {  	[smem:$0x3FB3] =	sst s0;
	s0 =	simm.s32 @!p2 $0x0  }
0x16: {  	s3 =	sld [smem:$0x3FDB];
	s0 =	simm.s32 @p2 $0x1  }
0x17: {  	s4 =	simm.s32 $0x1BF5;
	[smem:$0x3FB5] =	sst s0  }
0x18: {  	s0 =	sld [smem:$0x3F98];
	_ =	swait.ge [sflag:s4], $0x0  }
0x19: {  	s7 =	sld [smem:$0x3F99]  }
0x1a: {  	s8 =	sadd.s32 $0xFFFFE003, lr  }
0x1b: {  	s9 =	sadd.s32 $0xFFFFFEF7, lr;
	s5 =	simm.s32 $0xFFFFFFFF;
	p2 =	slt.u32 s8, $0xFFFFF086  }
0x1c: {  	p1 =	slt.u32 s9, $0xF7A;
	s5 =	simm.s32 @!p2 $0x0  }
0x1d: {  	s5 =	simm.s32 @p1 $0x1;
	p0 =	seq.s32 s7, s2  }
0x1e: {  	s7 =	smul.u32 @!p0 $0xF7A, s2;
	p2 =	seq.s32 @!p0 s5, $0x0  }
0x1f: {  	s9 =	smul.u32 $0xF7A, s1;
	s8 =	simm.s32 @!p0 $0x1BF5;
	p2 =	por !p2, p0  }
0x20: {  	[sflag:s8] =	ssyncset.s32 @!p0 $0xFFFFF086;
	s6 =	sadd.s32 @!p0 s3, s7;
	s7 =	simm.s32 @!p0 $0x108  }
0x21: {  	s3 =	sadd.s32 s3, s9;
	s6 =	sadd.s32 @!p0 $0x88, s6;
	s7 =	simm.s32 @p2 $0x1082  }
0x22: {  	[simem:s7], [sflag:s8] =	dma.local @!p0 [hbm:s6], $0xF7A  }
0x23: {  	s9 =	sor.u32 $0xD0000000, s2;
	s6 =	simm.s32 $0x108;
	_ =	swait.ge @!p0 [sflag:s8], $0x0  }
0x24: {  	s3 =	sadd.s32 $0x88, s3;
	s6 =	simm.s32 @!p1 $0x1082;
	[sflag:s4] =	ssyncset.s32 $0xFFFFF086  }
0x25: {  	[simem:s6], [sflag:s4] =	dma.local [hbm:s3], $0xF7A  }
0x26: {  	[smem:$0x3F99] =	sst s1;
	(tag) =	ssettag s2;
	_ =	strace s9  }
0x27: {  	s1 =	sld [smem:$0x3FA9]  }
0x28: {  	s2 =	sld [smem:$0x3FAA]  }
0x29: {  	s4 =	sld [smem:$0x3FAC]  }
0x2a: {  	p0 =	seq.s32 s5, $0x0;
	s5 =	sld [smem:$0x3FAD]  }
0x2b: {  	s6 =	sld [smem:$0x3FAE]  }
0x2c: {  	s7 =	sld [smem:$0x3FAF]  }
0x2d: {  	s3 =	simm.s32 $0x108;
	s8 =	sld [smem:$0x3FB0]  }
0x2e: {  	s3 =	simm.s32 @!p0 $0x1082;
	s9 =	sld [smem:$0x3FB1]  }
0x2f: {  	lr =	sadd.s32 s0, s3;
	s0 =	sld [smem:$0x3FA8]  }
0x30: {  	s3 =	sld [smem:$0x3FAB]  }
0x31: {  	[smem:$0x3FB4] =	sst s10  }
0x32: {  	s10 =	sld [smem:$0x3FB2];
	_ =	sdelay $0x3  }
0x33: {  	p0 =	seq.s32 s10, $0x1;
	s10 =	sld [smem:$0x3FB4];
	_ =	sdelay $0x3  }
0x34: {  	[smem:$0x3FB4] =	sst s10  }
0x35: {  	s10 =	sld [smem:$0x3FB3];
	_ =	sdelay $0x3  }
0x36: {  	p1 =	seq.s32 s10, $0x1;
	s10 =	sld [smem:$0x3FB4];
	_ =	sdelay $0x3  }
0x37: {  	[smem:$0x3FB4] =	sst s10  }
0x38: {  	s10 =	sld [smem:$0x3FB5]  }
0x39: {  	_ = 	snop;
	(pc) =	sbr.ind lr, $3  }
0x3a: {  	_ = 	snop  }
0x3b: {  	_ = 	snop  }
0x3c: {  	p2 =	seq.s32 s10, $0x1;
	s10 =	sld [smem:$0x3FB4]  }
0x3d: {  	_ =	shalt  }
0x3e: {  	_ =	shalt  }
0x3f: {  	_ =	shalt  }
0x40: {  	_ =	shalt  }
0x41: {  	_ =	shalt  }
0x42: {  	_ =	shalt  }
0x43: {  	_ =	shalt  }
0x44: {  	_ =	shalt  }
0x45: {  	_ =	shalt  }
0x46: {  	_ =	shalt  }
0x47: {  	_ =	shalt  }
0x48: {  	_ =	shalt  }
0x49: {  	_ =	shalt  }
0x4a: {  	_ =	shalt  }
0x4b: {  	_ =	shalt  }
0x4c: {  	_ =	shalt  }
0x4d: {  	_ =	shalt  }
0x4e: {  	_ =	shalt  }
0x4f: {  	_ =	shalt  }
0x50: {  	_ =	shalt  }
0x51: {  	_ =	shalt  }
0x52: {  	_ =	shalt  }
0x53: {  	_ =	shalt  }
0x54: {  	_ =	shalt  }
0x55: {  	_ =	shalt  }
0x56: {  	_ =	shalt  }
0x57: {  	_ =	shalt  }
0x58: {  	_ =	shalt  }
0x59: {  	_ =	shalt  }
0x5a: {  	_ =	shalt  }
0x5b: {  	_ =	shalt  }
0x5c: {  	_ =	shalt  }
0x5d: {  	_ =	shalt  }
0x5e: {  	_ =	shalt  }
0x5f: {  	_ =	shalt  }
0x60: {  	_ =	shalt  }
0x61: {  	_ =	shalt  }
0x62: {  	_ =	shalt  }
0x63: {  	_ =	shalt  }
0x64: {  	_ =	shalt  }
0x65: {  	_ =	shalt  }
0x66: {  	_ =	shalt  }
0x67: {  	_ =	shalt  }
0x68: {  	_ =	shalt  }
0x69: {  	_ =	shalt  }
0x6a: {  	_ =	shalt  }
0x6b: {  	_ =	shalt  }
0x6c: {  	_ =	shalt  }
0x6d: {  	_ =	shalt  }
0x6e: {  	_ =	shalt  }
0x6f: {  	_ =	shalt  }
0x70: {  	_ =	shalt  }
0x71: {  	_ =	shalt  }
0x72: {  	_ =	shalt  }
0x73: {  	_ =	shalt  }
0x74: {  	_ =	shalt  }
0x75: {  	_ =	shalt  }
0x76: {  	_ =	shalt  }
0x77: {  	_ =	shalt  }
0x78: {  	_ =	shalt  }
0x79: {  	_ =	shalt  }
0x7a: {  	_ =	shalt  }
0x7b: {  	_ =	shalt  }
0x7c: {  	_ =	shalt  }
0x7d: {  	_ =	shalt  }
0x7e: {  	_ =	shalt  }
0x7f: {  	_ =	shalt  }
0x80: {  	_ =	shalt  }
0x81: {  	_ =	shalt  }
0x82: {  	_ =	shalt  }
0x83: {  	_ =	shalt  }
0x84: {  	_ =	shalt  }
0x85: {  	_ =	shalt  }
0x86: {  	_ =	shalt  }
0x87: {  	_ =	shalt  }
.Lfunc_end0:
.L_simem_size_0:
called_computation_lowered:
.L_overlay_start_0:
0x88: {  	s2 =	sld [smem:$0x3FD9]  }
0x89: {  	s3 =	sld [smem:$0x3FFE];
	_ =	sdelay $0x1  }
0x8a: {  	s1 =	srdreg.scid  }
0x8b: {  	s0 =	sand.u32 $0x1, s1  }
0x8c: {  	s17 =	sshll.u32 s0, $0xA;
	s2 =	sadd.s32 s3, s2  }
0x8d: {  	s2 =	sadd.s32 s2, s17  }
0x8e: {  	[smem:$0x3FC0] =	sst s2  }
0x8f: {  	_ = 	snop  }
0x90: {  	s2 =	sld [smem:$0x3FD0];
	(tm) =	ssettm $0x1  }
0x91: {  	s18 =	sld [smem:$0x3FFB];
	_ =	sdelay $0x3  }
0x92: {  	_ =	strace s18  }
0x93: {  	s3 =	sld [smem:$0x3FFC];
	_ =	sdelay $0x3  }
0x94: {  	_ =	strace s3  }
0x95: {  	s3 =	sld [smem:$0x3FFD];
	_ =	sdelay $0x3  }
0x96: {  	_ =	strace s3  }
0x97: {  	_ =	strace $0x8FFFFFFF  }
0x98: {  	s19 =	sld [smem:$0x3FDB];
	_ =	sdelay $0x1  }
0x99: {  	s4 =	simm.s32 $_scs_section_size  }
0x9a: {  	s5 =	simm.s32 $_size__tile_overlayer_lowered;
	s6 =	simm.s32 $_tile_overlayer_lowered  }
0x9b: {  	s22 =	simm.s32 $0x1BFF;
	s21 =	sshll.u32 s6, $0x1;
	s3 =	sadd.s32 s4, s19  }
0x9c: {  	s7 =	simm.s32 $0x0;
	s20 =	sshll.u32 s5, $0x1;
	s5 =	sadd.s32 s21, s3  }
0x9d: {  	[timem:s7], [sflag:s22] =	dma.local [hbm:s5], s20  }
0x9e: {  	_ =	swait.ge [sflag:s22], s20  }
0x9f: {  	s4 =	ssub.s32 $0x0, s20;
	[sflag:s22] =	ssyncset.done $0x0  }
0xa0: {  	[sflag:s22] =	ssyncadd.s32 s4;
	_ =	sdelay $0x1  }
0xa1: {  	s23 =	simm.s32 $0x1B8B  }
0xa2: {  	_ =	swait.ge [sflag:s23], $0x1  }
0xa3: {  	[sflag:s23] =	ssyncset.done $0x0  }
0xa4: {  	s25 =	simm.s32 $0x1B8E;
	s24 =	sld [smem:$0x3FFE];
	[sflag:s23] =	ssyncadd.s32 $0xFFFFFFFF  }
0xa5: {  	s26 =	simm.s32 $execute0_lowered;
	[smem:$0x3FD2] =	sst s25  }
0xa6: {  	s5 =	sshll.u32 s26, $0x1;
	_ =	strace $0x80000046;
	[dreg:$0x1] =	wrdreg $0xFFFFFFFF  }
0xa7: {  	s28 =	simm.s32 $_size_execute0_lowered;
	s3 =	sadd.s32 s3, s5;
	[dreg:$0x0] =	wrdreg $0x0  }
0xa8: {  	s5 =	sshll.u32 s28, $0x1;
	[dreg:$0x2] =	wrdreg s3  }
0xa9: {  	[dreg:$0x3] =	wrdreg s5  }
0xaa: {  	[dreg:$0x4] =	wrdreg $0xC0  }
0xab: {  	_ =	task [dreg:s7], $0x5FFFF  }
0xac: {  	[dreg:$0x1] =	wrdreg $0xFFFFFFFF  }
0xad: {  	[dreg:$0x0] =	wrdreg $0x60  }
0xae: {  	[dreg:$0x2] =	wrdreg s2  }
0xaf: {  	[dreg:$0x3] =	wrdreg s24  }
0xb0: {  	[dreg:$0x4] =	wrdreg $0x30000  }
0xb1: {  	[dreg:$0x5] =	wrdreg $0x9  }
0xb2: {  	_ =	task.clear_ibuf [dreg:s7], $0x6FFFF;
	_ =	strace $0x90000046  }
0xb3: {  	s29 =	simm.s32 $0x9;
	_ =	strace $0x80000048  }
0xb4: {  	_ =	swait.ge [sflag:s29], $0x1  }
0xb5: {  	[sflag:s29] =	ssyncadd.s32 $0xFFFFFFFF  }
0xb6: {  	_ =	strace $0x90000048  }
0xb7: {  	_ =	sfence  }
0xb8: {  	s30 =	sld [smem:$0x0];
	_ =	sdelay $0x2  }
0xb9: {  	s31 =	sshll.u32 s1, $0xD;
	s1 =	sshrl.u32 s1, $0x2  }
0xba: {  	s3 =	sand.u32 $0x4000, s31;
	s1 =	sadd.s32 s1, s30  }
0xbb: {  	s0 =	sor.u32 s3, s0;
	s1 =	sshll.u32 s1, $0x11  }
0xbc: {  	s0 =	sor.u32 s1, s0  }
0xbd: {  	s0 =	sadd.s32 $0x8F2B, s0  }
0xbe: {  	[sflag:s0] =	ssyncadd.remote.s32 $0x1  }
0xbf: {  	_ =	sfence.sel $0xFFFF  }
0xc0: {  	[dreg:$0x0] =	wrdreg $0xFFFFFFFF;
	(pc) =	sbr.abs _section_cstart, $3  }
0xc1: {  	[dreg:$0x1] =	wrdreg $0xFFFFFFFF  }
0xc2: {  	_ =	task.clear_ibuf [dreg:s7], $0x2FFFF;
	_ =	strace $0x9FFFFFFF  }
0xc3: {  	(tm) =	ssettm $0x7FFFFFFF  }
tec
execute0_lowered:
.L_overlay_start_1:
0x0: {  	(tag) =	ssettag $0x1  }
0x1: {  	s7 =	rddreg [dreg:$0x0]  }
0x2: {  	s8 =	rddreg [dreg:$0x1]  }
0x3: {  	s0 =	srdreg.scid;
	s2 =	rddreg [dreg:$0x2];
	s3 =	simm.s32 $0x0  }
0x4: {  	s18 =	simm.s32 $0x2780;
	s19 =	simm.s32 $0x2;
	s20 =	simm.s32 $0x2F80  }
0x5: {  	s21 =	simm.s32 $0x1;
	s6 =	sand.u32 $0x1, s0;
	s0 =	stileid.u32  }
0x6: {  	s22 =	simm.s32 $0x80;
	s23 =	simm.s32 $0x0;
	s10 =	smul.u32 $0x9E00, s0  }
0x7: {  	[smem:$0x7FF] =	sst s3;
	s4 =	sadd.s32 $0xB200, s8;
	s11 =	smul.u32 $0x278, s0  }
0x8: {  	s5 =	sadd.s32 $0xB400, s8;
	s15 =	sadd.s32 $0xB600, s8;
	s12 =	smul.u32 $0x2780, s6  }
0x9: {  	s1 =	sshll.u32 s6, $0x4;
	s13 =	ssub.s32 $0x2, s6;
	s14 =	smul.u32 $0x4F00, s6  }
0xa: {  	s28 =	smul.u32 $0x4F0, s0;
	s1 =	sor.u32 s0, s1;
	s26 =	sshrl.u32 s13, $0x1  }
0xb: {  	s9 =	smul.u32 $0x4F0, s1;
	s1 =	rddreg [dreg:$0x3];
	_ =	strace $0x80000047  }
0xc: {  	s13 =	ssub.s32 s13, s26;
	s30 =	sadd.s32 s12, s11;
	s31 =	sadd.s32 s28, s14  }
0xd: {  	s29 =	sshrl.u32 s10, $0x2;
	s10 =	sadd.s32 s31, s15;
	s11 =	sshll.u32 s30, $0x1  }
0xe: {  	s6 =	sadd.s32 s7, s9;
	s7 =	sadd.s32 s29, s2;
	s9 =	sadd.s32 $0x400, s10  }
0xf: {  	s10 =	smax.u32 s13, $0x1;
	s11 =	sadd.s32 s15, s11;
	s8 =	sadd.s32 $0x2000, s7  }
0x10: {  	s12 =	sadd.s32 $0x800, s7;
	s13 =	sadd.s32 $0x100, s11;
	s14 =	sadd.s32 $0x1000, s7  }
0x11: {  	s15 =	sadd.s32 $0x200, s11;
	s16 =	sadd.s32 $0x1800, s7;
	s17 =	sadd.s32 $0x300, s11  }
.LBB2_1:
0x12: {  	[tilespmem:s18], [sflag:$0x2] =	stream.linear.gather [hbm4b:s4+s3], $0x800, $0x38;
	[tilespmem:$0x5780] =	vst v63  }
0x13: {  	_ =	swait.ge [sflag:s19], $0x800  }
0x14: {  	[sflag:s19] =	ssyncset.done $0x0  }
0x15: {  	[sflag:s19] =	ssyncadd.s32 $0xFFFFF800  }
0x16: {  	[tilespmem:s20], [sflag:$0x2] =	stream.linear.gather [hbm4b:s5+s3], $0x80, $0x38;
	[tilespmem:$0x5780] =	vst v63  }
0x17: {  	_ =	swait.ge [sflag:s19], $0x80  }
0x18: {  	[sflag:s19] =	ssyncset.done $0x0  }
0x19: {  	[sflag:s19] =	ssyncadd.s32 $0xFFFFFF80  }
0x1a: {  	[tilespmem:s3], [sflag:$0x2] =	stream.linear.gather [hbm4b:s6+s3], $0x2780, $0x38;
	[tilespmem:$0x5780] =	vst v63  }
0x1b: {  	_ =	swait.ge [sflag:s19], $0x2780  }
0x1c: {  	[sflag:s19] =	ssyncset.done $0x0  }
0x1d: {  	s24 =	simm.s32 $0x0;
	[sflag:s19] =	ssyncadd.s32 $0xFFFFD880  }
.LBB2_2:
0x1e: {  	p0 =	sne.s32 s24, $0x9C00  }
.Ltmp0:
0x1f: {  	_ = 	snop;
	(pc) =	sbr.rel @p0 .LBB2_2-.Ltmp0, $4  }
0x20: {  	_ = 	snop  }
0x21: {  	s25 =	sshra.s32 s24, $0x2  }
0x22: {  	s24 =	sadd.s32 $0x200, s24;
	s25 =	sadd.s32 s25, s7  }
0x23: {  	[spmem:s25] =	stream.linear.scatter [tilespmem:s20], [sflag:$0x1], $0x80, $0x38;
	[tilespmem:$0x5780] =	vst v63  }
0x24: {  	_ =	swait.ge [sflag:s21], $0x80  }
0x25: {  	s24 =	simm.s32 $0x4E;
	[sflag:s21] =	ssyncset.done $0x0  }
.LBB2_4:
0x26: {  	p0 =	sne.s32 s24, $0x1;
	s24 =	sadd.s32 $0xFFFFFFFF, s24;
	[sflag:s21] =	ssyncadd.s32 $0xFFFFFF80  }
.Ltmp1:
0x27: {  	(pc) =	sbr.rel @p0 .LBB2_4-.Ltmp1, $3  }
0x28: {  	_ =	sdelay $0x1  }
0x29: {  	_ =	swait.ge [sflag:s21], $0x80  }
0x2a: {  	[sflag:s21] =	ssyncset.done $0x0  }
0x2b: {  	[sflag:s21] =	ssyncadd.s32 $0xFFFFFF80  }
0x2c: {  	s24 =	simm.s32 $0x0;
	[bflag:$0x0] =	sbarrier.arrive $0xFFFF  }
.LBB2_6:
0x2d: {  	p0 =	sne.s32 s24, $0x9C00  }
.Ltmp2:
0x2e: {  	_ = 	snop;
	(pc) =	sbr.rel @p0 .LBB2_6-.Ltmp2, $3  }
0x2f: {  	_ =	sdelay $0x1  }
0x30: {  	s25 =	sshra.s32 s24, $0x2;
	s24 =	sadd.s32 $0x200, s24  }
0x31: {  	[spmem:s2] =	stream.indirect.scatter.add.f32 [tilespmem:s18], [sflag:$0x1], $0x10, s25, s22, $0xb8;
	[tilespmem:$0x5780] =	vst v63  }
0x32: {  	_ =	swait.ge [sflag:s21], $0x800  }
0x33: {  	s24 =	simm.s32 $0x4E;
	[sflag:s21] =	ssyncset.done $0x0  }
.LBB2_8:
0x34: {  	p0 =	sne.s32 s24, $0x1;
	s24 =	sadd.s32 $0xFFFFFFFF, s24;
	[sflag:s21] =	ssyncadd.s32 $0xFFFFF800  }
.Ltmp3:
0x35: {  	(pc) =	sbr.rel @p0 .LBB2_8-.Ltmp3, $3  }
0x36: {  	_ =	sdelay $0x1  }
0x37: {  	_ =	swait.ge [sflag:s21], $0x800  }
0x38: {  	[sflag:s21] =	ssyncset.done $0x0  }
0x39: {  	[sflag:s21] =	ssyncadd.s32 $0xFFFFF800  }
0x3a: {  	[bflag:$0x0] =	sbarrier.arrive $0xFFFF  }
0x3b: {  	[tilespmem:s18], [sflag:$0x2] =	stream.linear.gather [spmem:s7], $0x800, $0x38;
	[tilespmem:$0x5780] =	vst v63  }
0x3c: {  	_ =	swait.ge [sflag:s19], $0x800  }
0x3d: {  	[sflag:s19] =	ssyncset.done $0x0  }
0x3e: {  	[sflag:s19] =	ssyncadd.s32 $0xFFFFF800  }
0x3f: {  	[hbm4b:s11+s3] =	stream.linear.scatter [tilespmem:s18], [sflag:$0x2], $0x800, $0x38;
	[tilespmem:$0x5780] =	vst v63  }
0x40: {  	_ =	swait.ge [sflag:s19], $0x800  }
0x41: {  	[sflag:s19] =	ssyncset.done $0x0  }
0x42: {  	[sflag:s19] =	ssyncadd.s32 $0xFFFFF800  }
0x43: {  	[tilespmem:s18], [sflag:$0x2] =	stream.linear.gather [spmem:s12], $0x800, $0x38;
	[tilespmem:$0x5780] =	vst v63  }
0x44: {  	_ =	swait.ge [sflag:s19], $0x800  }
0x45: {  	[sflag:s19] =	ssyncset.done $0x0  }
0x46: {  	[sflag:s19] =	ssyncadd.s32 $0xFFFFF800  }
0x47: {  	[hbm4b:s13+s3] =	stream.linear.scatter [tilespmem:s18], [sflag:$0x2], $0x800, $0x38;
	[tilespmem:$0x5780] =	vst v63  }
0x48: {  	_ =	swait.ge [sflag:s19], $0x800  }
0x49: {  	[sflag:s19] =	ssyncset.done $0x0  }
0x4a: {  	[sflag:s19] =	ssyncadd.s32 $0xFFFFF800  }
0x4b: {  	[tilespmem:s18], [sflag:$0x2] =	stream.linear.gather [spmem:s14], $0x800, $0x38;
	[tilespmem:$0x5780] =	vst v63  }
0x4c: {  	_ =	swait.ge [sflag:s19], $0x800  }
0x4d: {  	[sflag:s19] =	ssyncset.done $0x0  }
0x4e: {  	[sflag:s19] =	ssyncadd.s32 $0xFFFFF800  }
0x4f: {  	[hbm4b:s15+s3] =	stream.linear.scatter [tilespmem:s18], [sflag:$0x2], $0x800, $0x38;
	[tilespmem:$0x5780] =	vst v63  }
0x50: {  	_ =	swait.ge [sflag:s19], $0x800  }
0x51: {  	[sflag:s19] =	ssyncset.done $0x0  }
0x52: {  	[sflag:s19] =	ssyncadd.s32 $0xFFFFF800  }
0x53: {  	[tilespmem:s18], [sflag:$0x2] =	stream.linear.gather [spmem:s16], $0x800, $0x38;
	[tilespmem:$0x5780] =	vst v63  }
0x54: {  	_ =	swait.ge [sflag:s19], $0x800  }
0x55: {  	[sflag:s19] =	ssyncset.done $0x0  }
0x56: {  	[sflag:s19] =	ssyncadd.s32 $0xFFFFF800  }
0x57: {  	[hbm4b:s17+s3] =	stream.linear.scatter [tilespmem:s18], [sflag:$0x2], $0x800, $0x38;
	[tilespmem:$0x5780] =	vst v63  }
0x58: {  	_ =	swait.ge [sflag:s19], $0x800  }
0x59: {  	[sflag:s19] =	ssyncset.done $0x0  }
0x5a: {  	[sflag:s19] =	ssyncadd.s32 $0xFFFFF800  }
0x5b: {  	[tilespmem:s18], [sflag:$0x2] =	stream.linear.gather [spmem:s8], $0x780, $0x38;
	[tilespmem:$0x5780] =	vst v63  }
0x5c: {  	s23 =	sadd.s32 $0x1, s23;
	_ =	swait.ge [sflag:s19], $0x780  }
0x5d: {  	p0 =	sne.s32 s23, s10;
	[sflag:s19] =	ssyncset.done $0x0  }
.Ltmp4:
0x5e: {  	[sflag:s19] =	ssyncadd.s32 $0xFFFFF880;
	(pc) =	sbr.rel @p0 .LBB2_1-.Ltmp4, $4  }
0x5f: {  	[hbm4b:s9+s3] =	stream.linear.scatter [tilespmem:s18], [sflag:$0x2], $0x780, $0x38;
	[tilespmem:$0x5780] =	vst v63  }
0x60: {  	_ =	swait.ge [sflag:s19], $0x780  }
0x61: {  	[sflag:s19] =	ssyncset.done $0x0  }
0x62: {  	[sflag:s19] =	ssyncadd.s32 $0xFFFFF880  }
0x63: {  	_ =	sfence.sel $0x180000  }
0x64: {  	[bflag:$0x0] =	sbarrier.arrive $0xFFFF  }
0x65: {  	p0 =	sne.s32 s0, $0x0;
	_ =	strace $0x90000047  }
0x66: {  	s0 =	sadd.s32 @!p0 $0x100000, s1;
	[bflag:$0x2] =	sbarrier.arrive $0xFFFF  }
0x67: {  	[sflag:s0] =	ssyncadd.tile.s32 @!p0 $0x1;
	_ =	shalt  }
.Lfunc_end2:
_tile_overlayer_lowered:
.L_overlay_start_2:
0x68: {  	(tag) =	ssettag $0x2  }
0x69: {  	s0 =	rddreg [dreg:$0x0];
	s2 =	stileid.u32  }
0x6a: {  	s1 =	rddreg [dreg:$0x1];
	p0 =	sne.s32 s2, $0x0  }
0x6b: {  	s3 =	rddreg [dreg:$0x2];
	[bflag:$0x3] =	sbarrier.arrive $0xFFFF;
	s2 =	simm.s32 @!p0 $0x1C02  }
0x6c: {  	[timem:s3], [sflag:s2] =	dma.local @!p0 [hbm:s0], s1  }
0x6d: {  	s0 =	simm.s32 @!p0 $0x2  }
0x6e: {  	_ =	swait.ge @!p0 [sflag:s0], s1  }
0x6f: {  	s1 =	ssub.s32 @!p0 $0x0, s1;
	[sflag:s0] =	ssyncset.done @!p0 $0x0  }
0x70: {  	[sflag:s0] =	ssyncadd.s32 @!p0 s1  }
0x71: {  	[bflag:$0x3] =	sbarrier.arrive $0xFFFF  }
0x72: {  	_ =	shalt  }

</sc_bundles>
